<compile_context>
chip_gen: v7x
topology: tpu7x:2x2x1
jax: 0.10.2.dev20260603
libtpu: 0.0.44.dev20260713+nightly
codegen_flags: <defaults>
</compile_context>

<pallas_src>
import functools

import jax
import jax.numpy as jnp
from jax import lax
from jax.experimental import pallas as pl
from jax.experimental.pallas import tpu as pltpu
from jax.experimental.pallas import tpu_sc as plsc

B = 16384
L = 50
D = 32
NC = 2
NS = 16
NW = NC * NS
W = B // NW
C = 32
CIDX = C * L
NP = W // (2 * C)


def _lane_bcast(vec, jvec):
  dnums = lax.GatherDimensionNumbers(
      offset_dims=(), collapsed_slice_dims=(0,), start_index_map=(0,))
  return lax.gather(vec, jvec[:, None], dnums, slice_sizes=(1,),
                    mode=lax.GatherScatterMode.PROMISE_IN_BOUNDS)


def _body(idx_hbm, table_hbm, out_hbm, idx_a, idx_b, rows_a, rows_b,
          out_a, out_b, t0_v, sem_a, sem_b, isem_a, isem_b, osem_a, osem_b):
  wid = lax.axis_index("s") * NC + lax.axis_index("c")
  row0 = wid * W

  pltpu.sync_copy(table_hbm.at[pl.ds(0, 1)], t0_v)
  t00 = t0_v[0, pl.ds(0, 16)]
  t01 = t0_v[0, pl.ds(16, 16)]

  def fire_gathers(idx_v, rows_v, sem):
    def fire(l, _):
      pltpu.async_copy(table_hbm.at[idx_v.at[l]],
                       rows_v.at[pl.ds(l * C, C)], sem)
      return 0
    lax.fori_loop(0, L, fire, 0)

  def wait_gathers(rows_v, sem):
    pltpu.make_async_copy(table_hbm.at[pl.ds(0, CIDX)], rows_v, sem).wait()

  def fire_idx(chunk, idx_v, isem):
    pltpu.async_copy(idx_hbm.at[:, pl.ds(row0 + chunk * C, C)], idx_v, isem)

  def wait_idx(idx_v, isem):
    pltpu.make_async_copy(idx_hbm.at[:, pl.ds(0, C)], idx_v, isem).wait()

  def counts(idx_v):
    res = []
    for g in range(C // 16):
      def count_l(l, nz):
        vals = idx_v[l, pl.ds(g * 16, 16)]
        return nz + jnp.where(vals == 0, 1.0, 0.0)
      nzf = lax.fori_loop(0, L, count_l, jnp.zeros((16,), jnp.float32),
                          unroll=10)
      cnt = jnp.float32(L) - nzf
      inv = jnp.where(cnt == 0.0, 0.0,
                      1.0 / jnp.where(cnt == 0.0, 1.0, cnt))
      res.append((nzf, inv))
    return res

  def accumulate(rows_v, out_v, cnts):
    def row_body(r, _):
      def acc_l(l, acc):
        a0, a1 = acc
        a0 = a0 + rows_v[l * C + r, pl.ds(0, 16)]
        a1 = a1 + rows_v[l * C + r, pl.ds(16, 16)]
        return (a0, a1)
      a0, a1 = lax.fori_loop(0, L, acc_l,
                             (jnp.zeros((16,), jnp.float32),
                              jnp.zeros((16,), jnp.float32)), unroll=10)
      g = r // 16
      jvec = jnp.full((16,), r - g * 16, jnp.int32)
      nz0, inv0 = cnts[0]
      nz1, inv1 = cnts[1]
      nzg = jnp.where(jnp.full((16,), g, jnp.int32) == 0, nz0, nz1)
      invg = jnp.where(jnp.full((16,), g, jnp.int32) == 0, inv0, inv1)
      nzb = _lane_bcast(nzg, jvec)
      invb = _lane_bcast(invg, jvec)
      out_v[r, pl.ds(0, 16)] = (a0 - nzb * t00) * invb
      out_v[r, pl.ds(16, 16)] = (a1 - nzb * t01) * invb
      return 0
    lax.fori_loop(0, C, row_body, 0)

  def fire_out(chunk, out_v, osem):
    pltpu.async_copy(out_v, out_hbm.at[pl.ds(row0 + chunk * C, C)], osem)

  def wait_out(out_v, osem):
    pltpu.make_async_copy(out_v, out_hbm.at[pl.ds(0, C)], osem).wait()

  pltpu.sync_copy(idx_hbm.at[:, pl.ds(row0, C)], idx_a)
  fire_gathers(idx_a, rows_a, sem_a)
  pltpu.sync_copy(idx_hbm.at[:, pl.ds(row0 + C, C)], idx_b)

  def pair_body(p, _):
    e = 2 * p
    o = 2 * p + 1

    @pl.when(p > 0)
    def _():
      wait_idx(idx_b, isem_b)
    fire_gathers(idx_b, rows_b, sem_b)

    cnts_e = counts(idx_a)
    wait_gathers(rows_a, sem_a)

    @pl.when(p > 0)
    def _():
      wait_out(out_a, osem_a)
    accumulate(rows_a, out_a, cnts_e)
    fire_out(e, out_a, osem_a)

    @pl.when(p < NP - 1)
    def _():
      fire_idx(e + 2, idx_a, isem_a)
      wait_idx(idx_a, isem_a)
      fire_gathers(idx_a, rows_a, sem_a)

    cnts_o = counts(idx_b)
    wait_gathers(rows_b, sem_b)

    @pl.when(p > 0)
    def _():
      wait_out(out_b, osem_b)
    accumulate(rows_b, out_b, cnts_o)
    fire_out(o, out_b, osem_b)

    @pl.when(p < NP - 1)
    def _():
      fire_idx(o + 2, idx_b, isem_b)
    return 0

  lax.fori_loop(0, NP, pair_body, 0)
  wait_out(out_a, osem_a)
  wait_out(out_b, osem_b)


@functools.partial(
    pl.kernel,
    out_type=jax.ShapeDtypeStruct((B, D), jnp.float32),
    mesh=plsc.VectorSubcoreMesh(core_axis_name="c", subcore_axis_name="s"),
    scratch_types=[
        pltpu.VMEM((L, C), jnp.int32),
        pltpu.VMEM((L, C), jnp.int32),
        pltpu.VMEM((CIDX, D), jnp.float32),
        pltpu.VMEM((CIDX, D), jnp.float32),
        pltpu.VMEM((C, D), jnp.float32),
        pltpu.VMEM((C, D), jnp.float32),
        pltpu.VMEM((1, D), jnp.float32),
        pltpu.SemaphoreType.DMA,
        pltpu.SemaphoreType.DMA,
        pltpu.SemaphoreType.DMA,
        pltpu.SemaphoreType.DMA,
        pltpu.SemaphoreType.DMA,
        pltpu.SemaphoreType.DMA,
    ],
    compiler_params=pltpu.CompilerParams(needs_layout_passes=False,
                                         use_tc_tiling_on_sc=False),
)
def _masked_mean_sc(idx_hbm, table_hbm, out_hbm, idx_a, idx_b, rows_a,
                    rows_b, out_a, out_b, t0_v, sem_a, sem_b, isem_a,
                    isem_b, osem_a, osem_b):
  _body(idx_hbm, table_hbm, out_hbm, idx_a, idx_b, rows_a, rows_b,
        out_a, out_b, t0_v, sem_a, sem_b, isem_a, isem_b, osem_a, osem_b)


def kernel(inputs, table):
  out = _masked_mean_sc(inputs.T, table)
  return out.reshape(B, 1, D)

# --- scband reference (transcript-rebuilt; emitter-appended) ---
"""Pipeline reference for scband-masked-embedding-mean-48163763257598 (READ-ONLY COPY).

The authoritative reference and input builder live on the scoring server;
editing this copy changes nothing except your own understanding.
"""

import jax, jax.numpy as jnp
import numpy as np

HASH_BUCKET_SIZE = 1000000
EMBEDDING_DIM = 32
BATCH = 16384
HIST_LEN = 50


def setup_inputs(seed: int = 0) -> dict:
    key = jax.random.key(seed)
    k_idx, k_tab = jax.random.split(key)
    inputs = jax.random.randint(k_idx, (BATCH, HIST_LEN), 0, HASH_BUCKET_SIZE, dtype=jnp.int64 if jax.config.jax_enable_x64 else jnp.int32).astype(jnp.int32)
    # glorot_uniform for embedding table [vocab, dim]
    limit = np.sqrt(6.0 / (HASH_BUCKET_SIZE + EMBEDDING_DIM))
    table = jax.random.uniform(k_tab, (HASH_BUCKET_SIZE, EMBEDDING_DIM), dtype=jnp.float32, minval=-limit, maxval=limit)
    return {"inputs": inputs, "table": table}


def reference(inputs, table):
    # original_embedding = embedding(inputs): [B, L, D]
    original_embedding = jnp.take(table, inputs, axis=0)
    # mask: 1 where token != 0
    mask_tensor = 1.0 - (inputs == 0).astype(jnp.float32)  # [B, L]
    embedding_mask_tensor = jnp.repeat(mask_tensor[..., None], EMBEDDING_DIM, axis=-1)  # [B, L, D]
    num = jnp.sum(original_embedding * embedding_mask_tensor, axis=1)  # [B, D]
    denom = jnp.sum(embedding_mask_tensor, axis=1)  # [B, D]
    # tf.math.divide_no_nan semantics
    denom_safe = jnp.where(denom == 0.0, 1.0, denom)
    mean_tensor = jnp.where(denom == 0.0, 0.0, num / denom_safe)
    return mean_tensor[:, None, :]  # [B, 1, D]

if __name__ == "__main__":
    import jax
    _d = setup_inputs()
    print(jax.jit(kernel)(*tuple(_d.values())))

</pallas_src>

<mosaic_0001>
#map = affine_map<(d0, d1) -> (0, 0)>
module attributes {stable_mosaic.version = 14 : i64} {
  func.func @_masked_mean_sc(%arg0: i32, %arg1: i32, %arg2: memref<50x16384xi32, #tpu.memory_space<hbm>>, %arg3: memref<1000000x32xf32, #tpu.memory_space<hbm>>, %arg4: memref<16384x32xf32, #tpu.memory_space<hbm>>, %arg5: memref<50x32xi32, #tpu.memory_space<vmem>>, %arg6: memref<50x32xi32, #tpu.memory_space<vmem>>, %arg7: memref<1600x32xf32, #tpu.memory_space<vmem>>, %arg8: memref<1600x32xf32, #tpu.memory_space<vmem>>, %arg9: memref<32x32xf32, #tpu.memory_space<vmem>>, %arg10: memref<32x32xf32, #tpu.memory_space<vmem>>, %arg11: memref<1x32xf32, #tpu.memory_space<vmem>>, %arg12: memref<!tpu.dma_semaphore, #tpu.memory_space<semaphore_mem>>, %arg13: memref<!tpu.dma_semaphore, #tpu.memory_space<semaphore_mem>>, %arg14: memref<!tpu.dma_semaphore, #tpu.memory_space<semaphore_mem>>, %arg15: memref<!tpu.dma_semaphore, #tpu.memory_space<semaphore_mem>>, %arg16: memref<!tpu.dma_semaphore, #tpu.memory_space<semaphore_mem>>, %arg17: memref<!tpu.dma_semaphore, #tpu.memory_space<semaphore_mem>>) attributes {dimension_semantics = [#tpu.dimension_semantics<core_parallel>, #tpu.dimension_semantics<subcore_parallel>], iteration_bounds = array<i64: 2, 16>, scalar_prefetch = 0 : i64, scratch_operands = 13 : i64, tpu.core_type = #tpu.core_type<sc_vector_subcore>, window_params = [{transform_indices = #map}, {transform_indices = #map}, {transform_indices = #map}]} {
    %mul3A = arith.constant 2 : i32
    %mul3A_0 = arith.muli %arg1, %mul3A : i32
    %add3A = arith.addi %mul3A_0, %arg0 : i32
    %mul3A_1 = arith.constant 512 : i32
    %mul3A_2 = arith.muli %add3A, %mul3A_1 : i32
    "tpu.region"() ({
      %run_scoped3A = tpu.sem_alloc : memref<!tpu.dma_semaphore, #tpu.memory_space<semaphore_mem>>
      %dma_start3A = arith.constant 0 : i32
      %dma_start3A_36 = arith.constant 0 : i32
      %dma_start3A_37 = tpu.memref_slice %arg3[%dma_start3A, %dma_start3A_36] : memref<1000000x32xf32, #tpu.memory_space<hbm>> -> memref<1x32xf32, #tpu.memory_space<hbm>>
      %dma_start3A_38 = arith.constant 0 : i32
      %dma_start3A_39 = arith.constant 0 : i32
      %dma_start3A_40 = tpu.memref_slice %arg3[%dma_start3A_38, %dma_start3A_39] : memref<1000000x32xf32, #tpu.memory_space<hbm>> -> memref<1x32xf32, #tpu.memory_space<hbm>>
      tpu.enqueue_dma source(%dma_start3A_40 : memref<1x32xf32, #tpu.memory_space<hbm>>) target(%arg11 : memref<1x32xf32, #tpu.memory_space<vmem>>) target_semaphore(%run_scoped3A : memref<!tpu.dma_semaphore, #tpu.memory_space<semaphore_mem>>)
      %dma_wait3A_41 = arith.constant 0 : i32
      %dma_wait3A_42 = arith.constant 0 : i32
      %dma_wait3A_43 = tpu.memref_slice %arg3[%dma_wait3A_41, %dma_wait3A_42] : memref<1000000x32xf32, #tpu.memory_space<hbm>> -> memref<1x32xf32, #tpu.memory_space<hbm>>
      %dma_wait3A_44 = arith.constant 0 : i32
      %dma_wait3A_45 = arith.constant 0 : i32
      %dma_wait3A_46 = tpu.memref_slice %arg3[%dma_wait3A_44, %dma_wait3A_45] : memref<1000000x32xf32, #tpu.memory_space<hbm>> -> memref<1x32xf32, #tpu.memory_space<hbm>>
      tpu.wait_dma2 semaphore(%run_scoped3A : memref<!tpu.dma_semaphore, #tpu.memory_space<semaphore_mem>>) src(%dma_wait3A_46 : memref<1x32xf32, #tpu.memory_space<hbm>>) dst(%arg11 : memref<1x32xf32, #tpu.memory_space<vmem>>)
      tpu.yield
    }) : () -> ()
    %get3A = arith.constant 0 : i32
    %get3A_3 = arith.index_cast %get3A : i32 to index
    %get3A_4 = arith.constant 0 : index
    %get3A_5 = tpu.vector_load %arg11[%get3A_3, %get3A_4] {strides = array<i32>} : memref<1x32xf32, #tpu.memory_space<vmem>>, vector<16xf32>,
    %get3A_6 = arith.constant 0 : i32
    %get3A_7 = arith.index_cast %get3A_6 : i32 to index
    %get3A_8 = arith.constant 16 : index
    %get3A_9 = tpu.vector_load %arg11[%get3A_7, %get3A_8] {strides = array<i32>} : memref<1x32xf32, #tpu.memory_space<vmem>>, vector<16xf32>,
    "tpu.region"() ({
      %run_scoped3A = tpu.sem_alloc : memref<!tpu.dma_semaphore, #tpu.memory_space<semaphore_mem>>
      %dma_start3A = arith.constant 0 : i32
      %dma_start3A_36 = tpu.memref_slice %arg2[%dma_start3A, %mul3A_2] : memref<50x16384xi32, #tpu.memory_space<hbm>> -> memref<50x32xi32, #tpu.memory_space<hbm>>
      %dma_start3A_37 = arith.constant 0 : i32
      %dma_start3A_38 = tpu.memref_slice %arg2[%dma_start3A_37, %mul3A_2] : memref<50x16384xi32, #tpu.memory_space<hbm>> -> memref<50x32xi32, #tpu.memory_space<hbm>>
      tpu.enqueue_dma source(%dma_start3A_38 : memref<50x32xi32, #tpu.memory_space<hbm>>) target(%arg5 : memref<50x32xi32, #tpu.memory_space<vmem>>) target_semaphore(%run_scoped3A : memref<!tpu.dma_semaphore, #tpu.memory_space<semaphore_mem>>)
      %dma_wait3A_39 = arith.constant 0 : i32
      %dma_wait3A_40 = tpu.memref_slice %arg2[%dma_wait3A_39, %mul3A_2] : memref<50x16384xi32, #tpu.memory_space<hbm>> -> memref<50x32xi32, #tpu.memory_space<hbm>>
      %dma_wait3A_41 = arith.constant 0 : i32
      %dma_wait3A_42 = tpu.memref_slice %arg2[%dma_wait3A_41, %mul3A_2] : memref<50x16384xi32, #tpu.memory_space<hbm>> -> memref<50x32xi32, #tpu.memory_space<hbm>>
      tpu.wait_dma2 semaphore(%run_scoped3A : memref<!tpu.dma_semaphore, #tpu.memory_space<semaphore_mem>>) src(%dma_wait3A_42 : memref<50x32xi32, #tpu.memory_space<hbm>>) dst(%arg5 : memref<50x32xi32, #tpu.memory_space<vmem>>)
      tpu.yield
    }) : () -> ()
    %scan3A = arith.constant 0 : i32
    %scan3A_10 = arith.constant 0 : i32
    %scan3A_11 = arith.constant 50 : i32
    %scan3A_12 = arith.addi %scan3A_10, %scan3A_11 : i32
    %scan3A_13 = arith.constant 1 : i32
    %scan3A_14 = scf.for %scan3A_36 = %scan3A_10 to %scan3A_12 step %scan3A_13 iter_args(%scan3A_37 = %scan3A) -> (i32)  : i32 {
      %mul3A_38 = arith.constant 32 : i32
      %mul3A_39 = arith.muli %scan3A_36, %mul3A_38 : i32
      %dma_start3A = arith.constant 0 : i32
      %dma_start3A_40 = tpu.memref_slice %arg7[%mul3A_39, %dma_start3A] : memref<1600x32xf32, #tpu.memory_space<vmem>> -> memref<32x32xf32, #tpu.memory_space<vmem>>
      %dma_start3A_41 = arith.constant 0 : i32
      %dma_start3A_42 = tpu.memref_slice %arg5[%scan3A_36, %dma_start3A_41] : memref<50x32xi32, #tpu.memory_space<vmem>> -> memref<1x32xi32, #tpu.memory_space<vmem>>
      %dma_start3A_43 = tpu.memref_squeeze %dma_start3A_42 : memref<1x32xi32, #tpu.memory_space<vmem>> -> memref<32xi32, #tpu.memory_space<vmem>>
      %dma_start3A_44 = arith.constant 0 : i32
      %dma_start3A_45 = arith.constant 0 : i32
      %dma_start3A_46 = tpu.memref_slice %arg3[%dma_start3A_44, %dma_start3A_45] : memref<1000000x32xf32, #tpu.memory_space<hbm>> -> memref<1000000x32xf32, #tpu.memory_space<hbm>>
      tpu.enqueue_indirect_dma source(%dma_start3A_46 : memref<1000000x32xf32, #tpu.memory_space<hbm>>) target(%dma_start3A_40 : memref<32x32xf32, #tpu.memory_space<vmem>>) offsets(%dma_start3A_43 : memref<32xi32, #tpu.memory_space<vmem>>) semaphore(%arg12 : memref<!tpu.dma_semaphore, #tpu.memory_space<semaphore_mem>>)
      %scan3A_47 = arith.constant 0 : i32
      scf.yield %scan3A_47 : i32
    }
    %scan3A_15 = arith.constant 50 : i32
    %add3A_16 = arith.constant 32 : i32
    %add3A_17 = arith.addi %mul3A_2, %add3A_16 : i32
    "tpu.region"() ({
      %run_scoped3A = tpu.sem_alloc : memref<!tpu.dma_semaphore, #tpu.memory_space<semaphore_mem>>
      %dma_start3A = arith.constant 0 : i32
      %dma_start3A_36 = tpu.memref_slice %arg2[%dma_start3A, %add3A_17] : memref<50x16384xi32, #tpu.memory_space<hbm>> -> memref<50x32xi32, #tpu.memory_space<hbm>>
      %dma_start3A_37 = arith.constant 0 : i32
      %dma_start3A_38 = tpu.memref_slice %arg2[%dma_start3A_37, %add3A_17] : memref<50x16384xi32, #tpu.memory_space<hbm>> -> memref<50x32xi32, #tpu.memory_space<hbm>>
      tpu.enqueue_dma source(%dma_start3A_38 : memref<50x32xi32, #tpu.memory_space<hbm>>) target(%arg6 : memref<50x32xi32, #tpu.memory_space<vmem>>) target_semaphore(%run_scoped3A : memref<!tpu.dma_semaphore, #tpu.memory_space<semaphore_mem>>)
      %dma_wait3A_39 = arith.constant 0 : i32
      %dma_wait3A_40 = tpu.memref_slice %arg2[%dma_wait3A_39, %add3A_17] : memref<50x16384xi32, #tpu.memory_space<hbm>> -> memref<50x32xi32, #tpu.memory_space<hbm>>
      %dma_wait3A_41 = arith.constant 0 : i32
      %dma_wait3A_42 = tpu.memref_slice %arg2[%dma_wait3A_41, %add3A_17] : memref<50x16384xi32, #tpu.memory_space<hbm>> -> memref<50x32xi32, #tpu.memory_space<hbm>>
      tpu.wait_dma2 semaphore(%run_scoped3A : memref<!tpu.dma_semaphore, #tpu.memory_space<semaphore_mem>>) src(%dma_wait3A_42 : memref<50x32xi32, #tpu.memory_space<hbm>>) dst(%arg6 : memref<50x32xi32, #tpu.memory_space<vmem>>)
      tpu.yield
    }) : () -> ()
    %scan3A_18 = arith.constant 0 : i32
    %scan3A_19 = arith.constant 0 : i32
    %scan3A_20 = arith.constant 8 : i32
    %scan3A_21 = arith.addi %scan3A_19, %scan3A_20 : i32
    %scan3A_22 = arith.constant 1 : i32
    %scan3A_23 = scf.for %scan3A_36 = %scan3A_19 to %scan3A_21 step %scan3A_22 iter_args(%scan3A_37 = %scan3A_18) -> (i32)  : i32 {
      %mul3A_38 = arith.constant 2 : i32
      %mul3A_39 = arith.muli %mul3A_38, %scan3A_36 : i32
      %mul3A_40 = arith.constant 2 : i32
      %mul3A_41 = arith.muli %mul3A_40, %scan3A_36 : i32
      %add3A_42 = arith.constant 1 : i32
      %add3A_43 = arith.addi %mul3A_41, %add3A_42 : i32
      %gt3A = arith.constant 0 : i32
      %gt3A_44 = arith.cmpi sgt, %scan3A_36, %gt3A : i32
      %convert_element_type3A = arith.extui %gt3A_44 : i1 to i32
      %cond3A = arith.constant 0 : i32
      %cond3A_45 = arith.cmpi ne, %convert_element_type3A, %cond3A : i32
      scf.if %cond3A_45 {
        %dma_wait3A_210 = arith.constant 0 : i32
        %dma_wait3A_211 = arith.constant 0 : i32
        %dma_wait3A_212 = tpu.memref_slice %arg2[%dma_wait3A_210, %dma_wait3A_211] : memref<50x16384xi32, #tpu.memory_space<hbm>> -> memref<50x32xi32, #tpu.memory_space<hbm>>
        %dma_wait3A_213 = arith.constant 0 : i32
        %dma_wait3A_214 = arith.constant 0 : i32
        %dma_wait3A_215 = tpu.memref_slice %arg2[%dma_wait3A_213, %dma_wait3A_214] : memref<50x16384xi32, #tpu.memory_space<hbm>> -> memref<50x32xi32, #tpu.memory_space<hbm>>
        tpu.wait_dma2 semaphore(%arg15 : memref<!tpu.dma_semaphore, #tpu.memory_space<semaphore_mem>>) src(%dma_wait3A_215 : memref<50x32xi32, #tpu.memory_space<hbm>>) dst(%arg6 : memref<50x32xi32, #tpu.memory_space<vmem>>)
      } else {
      }
      %scan3A_46 = arith.constant 0 : i32
      %scan3A_47 = arith.constant 0 : i32
      %scan3A_48 = arith.constant 50 : i32
      %scan3A_49 = arith.addi %scan3A_47, %scan3A_48 : i32
      %scan3A_50 = arith.constant 1 : i32
      %scan3A_51 = scf.for %scan3A_210 = %scan3A_47 to %scan3A_49 step %scan3A_50 iter_args(%scan3A_211 = %scan3A_46) -> (i32)  : i32 {
        %mul3A_212 = arith.constant 32 : i32
        %mul3A_213 = arith.muli %scan3A_210, %mul3A_212 : i32
        %dma_start3A_214 = arith.constant 0 : i32
        %dma_start3A_215 = tpu.memref_slice %arg8[%mul3A_213, %dma_start3A_214] : memref<1600x32xf32, #tpu.memory_space<vmem>> -> memref<32x32xf32, #tpu.memory_space<vmem>>
        %dma_start3A_216 = arith.constant 0 : i32
        %dma_start3A_217 = tpu.memref_slice %arg6[%scan3A_210, %dma_start3A_216] : memref<50x32xi32, #tpu.memory_space<vmem>> -> memref<1x32xi32, #tpu.memory_space<vmem>>
        %dma_start3A_218 = tpu.memref_squeeze %dma_start3A_217 : memref<1x32xi32, #tpu.memory_space<vmem>> -> memref<32xi32, #tpu.memory_space<vmem>>
        %dma_start3A_219 = arith.constant 0 : i32
        %dma_start3A_220 = arith.constant 0 : i32
        %dma_start3A_221 = tpu.memref_slice %arg3[%dma_start3A_219, %dma_start3A_220] : memref<1000000x32xf32, #tpu.memory_space<hbm>> -> memref<1000000x32xf32, #tpu.memory_space<hbm>>
        tpu.enqueue_indirect_dma source(%dma_start3A_221 : memref<1000000x32xf32, #tpu.memory_space<hbm>>) target(%dma_start3A_215 : memref<32x32xf32, #tpu.memory_space<vmem>>) offsets(%dma_start3A_218 : memref<32xi32, #tpu.memory_space<vmem>>) semaphore(%arg13 : memref<!tpu.dma_semaphore, #tpu.memory_space<semaphore_mem>>)
        %scan3A_222 = arith.constant 0 : i32
        scf.yield %scan3A_222 : i32
      }
      %scan3A_52 = arith.constant 50 : i32
      %broadcast_in_dim3A = arith.constant 0.000000e+00 : f32
      %broadcast_in_dim3A_53 = vector.broadcast %broadcast_in_dim3A : f32 to vector<16xf32>
      %scan3A_54 = arith.constant 0 : i32
      %scan3A_55 = arith.constant 50 : i32
      %scan3A_56 = arith.addi %scan3A_54, %scan3A_55 : i32
      %scan3A_57 = arith.constant 10 : i32
      %scan3A_58 = scf.for %scan3A_210 = %scan3A_54 to %scan3A_56 step %scan3A_57 iter_args(%scan3A_211 = %broadcast_in_dim3A_53) -> (vector<16xf32>)  : i32 {
        %get3A_212 = arith.index_cast %scan3A_210 : i32 to index
        %get3A_213 = arith.constant 0 : index
        %get3A_214 = tpu.vector_load %arg5[%get3A_212, %get3A_213] {strides = array<i32>} : memref<50x32xi32, #tpu.memory_space<vmem>>, vector<16xi32>,
        %eq3A_215 = arith.constant 0 : i32
        %eq3A_216 = vector.broadcast %eq3A_215 : i32 to vector<16xi32>
        %eq3A_217 = arith.cmpi eq, %get3A_214, %eq3A_216 : vector<16xi32>
        %jit3A_218 = arith.constant 1.000000e+00 : f32
        %jit3A_219 = arith.constant 0.000000e+00 : f32
        %broadcast_in_dim3A_220 = vector.broadcast %jit3A_218 : f32 to vector<16xf32>
        %broadcast_in_dim3A_221 = vector.broadcast %jit3A_219 : f32 to vector<16xf32>
        %select_n3A_222 = arith.select %eq3A_217, %broadcast_in_dim3A_220, %broadcast_in_dim3A_221 : vector<16xi1>, vector<16xf32>
        %add3A_223 = arith.addf %scan3A_211, %select_n3A_222 : vector<16xf32>
        %scan3A_224 = arith.constant 1 : i32
        %scan3A_225 = arith.addi %scan3A_210, %scan3A_224 : i32
        %get3A_226 = arith.index_cast %scan3A_225 : i32 to index
        %get3A_227 = arith.constant 0 : index
        %get3A_228 = tpu.vector_load %arg5[%get3A_226, %get3A_227] {strides = array<i32>} : memref<50x32xi32, #tpu.memory_space<vmem>>, vector<16xi32>,
        %eq3A_229 = arith.constant 0 : i32
        %eq3A_230 = vector.broadcast %eq3A_229 : i32 to vector<16xi32>
        %eq3A_231 = arith.cmpi eq, %get3A_228, %eq3A_230 : vector<16xi32>
        %jit3A_232 = arith.constant 1.000000e+00 : f32
        %jit3A_233 = arith.constant 0.000000e+00 : f32
        %broadcast_in_dim3A_234 = vector.broadcast %jit3A_232 : f32 to vector<16xf32>
        %broadcast_in_dim3A_235 = vector.broadcast %jit3A_233 : f32 to vector<16xf32>
        %select_n3A_236 = arith.select %eq3A_231, %broadcast_in_dim3A_234, %broadcast_in_dim3A_235 : vector<16xi1>, vector<16xf32>
        %add3A_237 = arith.addf %add3A_223, %select_n3A_236 : vector<16xf32>
        %scan3A_238 = arith.constant 2 : i32
        %scan3A_239 = arith.addi %scan3A_210, %scan3A_238 : i32
        %get3A_240 = arith.index_cast %scan3A_239 : i32 to index
        %get3A_241 = arith.constant 0 : index
        %get3A_242 = tpu.vector_load %arg5[%get3A_240, %get3A_241] {strides = array<i32>} : memref<50x32xi32, #tpu.memory_space<vmem>>, vector<16xi32>,
        %eq3A_243 = arith.constant 0 : i32
        %eq3A_244 = vector.broadcast %eq3A_243 : i32 to vector<16xi32>
        %eq3A_245 = arith.cmpi eq, %get3A_242, %eq3A_244 : vector<16xi32>
        %jit3A_246 = arith.constant 1.000000e+00 : f32
        %jit3A_247 = arith.constant 0.000000e+00 : f32
        %broadcast_in_dim3A_248 = vector.broadcast %jit3A_246 : f32 to vector<16xf32>
        %broadcast_in_dim3A_249 = vector.broadcast %jit3A_247 : f32 to vector<16xf32>
        %select_n3A_250 = arith.select %eq3A_245, %broadcast_in_dim3A_248, %broadcast_in_dim3A_249 : vector<16xi1>, vector<16xf32>
        %add3A_251 = arith.addf %add3A_237, %select_n3A_250 : vector<16xf32>
        %scan3A_252 = arith.constant 3 : i32
        %scan3A_253 = arith.addi %scan3A_210, %scan3A_252 : i32
        %get3A_254 = arith.index_cast %scan3A_253 : i32 to index
        %get3A_255 = arith.constant 0 : index
        %get3A_256 = tpu.vector_load %arg5[%get3A_254, %get3A_255] {strides = array<i32>} : memref<50x32xi32, #tpu.memory_space<vmem>>, vector<16xi32>,
        %eq3A_257 = arith.constant 0 : i32
        %eq3A_258 = vector.broadcast %eq3A_257 : i32 to vector<16xi32>
        %eq3A_259 = arith.cmpi eq, %get3A_256, %eq3A_258 : vector<16xi32>
        %jit3A_260 = arith.constant 1.000000e+00 : f32
        %jit3A_261 = arith.constant 0.000000e+00 : f32
        %broadcast_in_dim3A_262 = vector.broadcast %jit3A_260 : f32 to vector<16xf32>
        %broadcast_in_dim3A_263 = vector.broadcast %jit3A_261 : f32 to vector<16xf32>
        %select_n3A_264 = arith.select %eq3A_259, %broadcast_in_dim3A_262, %broadcast_in_dim3A_263 : vector<16xi1>, vector<16xf32>
        %add3A_265 = arith.addf %add3A_251, %select_n3A_264 : vector<16xf32>
        %scan3A_266 = arith.constant 4 : i32
        %scan3A_267 = arith.addi %scan3A_210, %scan3A_266 : i32
        %get3A_268 = arith.index_cast %scan3A_267 : i32 to index
        %get3A_269 = arith.constant 0 : index
        %get3A_270 = tpu.vector_load %arg5[%get3A_268, %get3A_269] {strides = array<i32>} : memref<50x32xi32, #tpu.memory_space<vmem>>, vector<16xi32>,
        %eq3A_271 = arith.constant 0 : i32
        %eq3A_272 = vector.broadcast %eq3A_271 : i32 to vector<16xi32>
        %eq3A_273 = arith.cmpi eq, %get3A_270, %eq3A_272 : vector<16xi32>
        %jit3A_274 = arith.constant 1.000000e+00 : f32
        %jit3A_275 = arith.constant 0.000000e+00 : f32
        %broadcast_in_dim3A_276 = vector.broadcast %jit3A_274 : f32 to vector<16xf32>
        %broadcast_in_dim3A_277 = vector.broadcast %jit3A_275 : f32 to vector<16xf32>
        %select_n3A_278 = arith.select %eq3A_273, %broadcast_in_dim3A_276, %broadcast_in_dim3A_277 : vector<16xi1>, vector<16xf32>
        %add3A_279 = arith.addf %add3A_265, %select_n3A_278 : vector<16xf32>
        %scan3A_280 = arith.constant 5 : i32
        %scan3A_281 = arith.addi %scan3A_210, %scan3A_280 : i32
        %get3A_282 = arith.index_cast %scan3A_281 : i32 to index
        %get3A_283 = arith.constant 0 : index
        %get3A_284 = tpu.vector_load %arg5[%get3A_282, %get3A_283] {strides = array<i32>} : memref<50x32xi32, #tpu.memory_space<vmem>>, vector<16xi32>,
        %eq3A_285 = arith.constant 0 : i32
        %eq3A_286 = vector.broadcast %eq3A_285 : i32 to vector<16xi32>
        %eq3A_287 = arith.cmpi eq, %get3A_284, %eq3A_286 : vector<16xi32>
        %jit3A_288 = arith.constant 1.000000e+00 : f32
        %jit3A_289 = arith.constant 0.000000e+00 : f32
        %broadcast_in_dim3A_290 = vector.broadcast %jit3A_288 : f32 to vector<16xf32>
        %broadcast_in_dim3A_291 = vector.broadcast %jit3A_289 : f32 to vector<16xf32>
        %select_n3A_292 = arith.select %eq3A_287, %broadcast_in_dim3A_290, %broadcast_in_dim3A_291 : vector<16xi1>, vector<16xf32>
        %add3A_293 = arith.addf %add3A_279, %select_n3A_292 : vector<16xf32>
        %scan3A_294 = arith.constant 6 : i32
        %scan3A_295 = arith.addi %scan3A_210, %scan3A_294 : i32
        %get3A_296 = arith.index_cast %scan3A_295 : i32 to index
        %get3A_297 = arith.constant 0 : index
        %get3A_298 = tpu.vector_load %arg5[%get3A_296, %get3A_297] {strides = array<i32>} : memref<50x32xi32, #tpu.memory_space<vmem>>, vector<16xi32>,
        %eq3A_299 = arith.constant 0 : i32
        %eq3A_300 = vector.broadcast %eq3A_299 : i32 to vector<16xi32>
        %eq3A_301 = arith.cmpi eq, %get3A_298, %eq3A_300 : vector<16xi32>
        %jit3A_302 = arith.constant 1.000000e+00 : f32
        %jit3A_303 = arith.constant 0.000000e+00 : f32
        %broadcast_in_dim3A_304 = vector.broadcast %jit3A_302 : f32 to vector<16xf32>
        %broadcast_in_dim3A_305 = vector.broadcast %jit3A_303 : f32 to vector<16xf32>
        %select_n3A_306 = arith.select %eq3A_301, %broadcast_in_dim3A_304, %broadcast_in_dim3A_305 : vector<16xi1>, vector<16xf32>
        %add3A_307 = arith.addf %add3A_293, %select_n3A_306 : vector<16xf32>
        %scan3A_308 = arith.constant 7 : i32
        %scan3A_309 = arith.addi %scan3A_210, %scan3A_308 : i32
        %get3A_310 = arith.index_cast %scan3A_309 : i32 to index
        %get3A_311 = arith.constant 0 : index
        %get3A_312 = tpu.vector_load %arg5[%get3A_310, %get3A_311] {strides = array<i32>} : memref<50x32xi32, #tpu.memory_space<vmem>>, vector<16xi32>,
        %eq3A_313 = arith.constant 0 : i32
        %eq3A_314 = vector.broadcast %eq3A_313 : i32 to vector<16xi32>
        %eq3A_315 = arith.cmpi eq, %get3A_312, %eq3A_314 : vector<16xi32>
        %jit3A_316 = arith.constant 1.000000e+00 : f32
        %jit3A_317 = arith.constant 0.000000e+00 : f32
        %broadcast_in_dim3A_318 = vector.broadcast %jit3A_316 : f32 to vector<16xf32>
        %broadcast_in_dim3A_319 = vector.broadcast %jit3A_317 : f32 to vector<16xf32>
        %select_n3A_320 = arith.select %eq3A_315, %broadcast_in_dim3A_318, %broadcast_in_dim3A_319 : vector<16xi1>, vector<16xf32>
        %add3A_321 = arith.addf %add3A_307, %select_n3A_320 : vector<16xf32>
        %scan3A_322 = arith.constant 8 : i32
        %scan3A_323 = arith.addi %scan3A_210, %scan3A_322 : i32
        %get3A_324 = arith.index_cast %scan3A_323 : i32 to index
        %get3A_325 = arith.constant 0 : index
        %get3A_326 = tpu.vector_load %arg5[%get3A_324, %get3A_325] {strides = array<i32>} : memref<50x32xi32, #tpu.memory_space<vmem>>, vector<16xi32>,
        %eq3A_327 = arith.constant 0 : i32
        %eq3A_328 = vector.broadcast %eq3A_327 : i32 to vector<16xi32>
        %eq3A_329 = arith.cmpi eq, %get3A_326, %eq3A_328 : vector<16xi32>
        %jit3A_330 = arith.constant 1.000000e+00 : f32
        %jit3A_331 = arith.constant 0.000000e+00 : f32
        %broadcast_in_dim3A_332 = vector.broadcast %jit3A_330 : f32 to vector<16xf32>
        %broadcast_in_dim3A_333 = vector.broadcast %jit3A_331 : f32 to vector<16xf32>
        %select_n3A_334 = arith.select %eq3A_329, %broadcast_in_dim3A_332, %broadcast_in_dim3A_333 : vector<16xi1>, vector<16xf32>
        %add3A_335 = arith.addf %add3A_321, %select_n3A_334 : vector<16xf32>
        %scan3A_336 = arith.constant 9 : i32
        %scan3A_337 = arith.addi %scan3A_210, %scan3A_336 : i32
        %get3A_338 = arith.index_cast %scan3A_337 : i32 to index
        %get3A_339 = arith.constant 0 : index
        %get3A_340 = tpu.vector_load %arg5[%get3A_338, %get3A_339] {strides = array<i32>} : memref<50x32xi32, #tpu.memory_space<vmem>>, vector<16xi32>,
        %eq3A_341 = arith.constant 0 : i32
        %eq3A_342 = vector.broadcast %eq3A_341 : i32 to vector<16xi32>
        %eq3A_343 = arith.cmpi eq, %get3A_340, %eq3A_342 : vector<16xi32>
        %jit3A_344 = arith.constant 1.000000e+00 : f32
        %jit3A_345 = arith.constant 0.000000e+00 : f32
        %broadcast_in_dim3A_346 = vector.broadcast %jit3A_344 : f32 to vector<16xf32>
        %broadcast_in_dim3A_347 = vector.broadcast %jit3A_345 : f32 to vector<16xf32>
        %select_n3A_348 = arith.select %eq3A_343, %broadcast_in_dim3A_346, %broadcast_in_dim3A_347 : vector<16xi1>, vector<16xf32>
        %add3A_349 = arith.addf %add3A_335, %select_n3A_348 : vector<16xf32>
        scf.yield %add3A_349 : vector<16xf32>
      }
      %scan3A_59 = arith.constant 50 : i32
      %sub3A = arith.constant 5.000000e+01 : f32
      %sub3A_60 = vector.broadcast %sub3A : f32 to vector<16xf32>
      %sub3A_61 = arith.subf %sub3A_60, %scan3A_58 : vector<16xf32>
      %eq3A = arith.constant 0.000000e+00 : f32
      %eq3A_62 = vector.broadcast %eq3A : f32 to vector<16xf32>
      %eq3A_63 = arith.cmpf oeq, %sub3A_61, %eq3A_62 : vector<16xf32>
      %eq3A_64 = arith.constant 0.000000e+00 : f32
      %eq3A_65 = vector.broadcast %eq3A_64 : f32 to vector<16xf32>
      %eq3A_66 = arith.cmpf oeq, %sub3A_61, %eq3A_65 : vector<16xf32>
      %jit3A = arith.constant 1.000000e+00 : f32
      %broadcast_in_dim3A_67 = vector.broadcast %jit3A : f32 to vector<16xf32>
      %select_n3A = arith.select %eq3A_66, %broadcast_in_dim3A_67, %sub3A_61 : vector<16xi1>, vector<16xf32>
      %div3A = arith.constant 1.000000e+00 : f32
      %div3A_68 = vector.broadcast %div3A : f32 to vector<16xf32>
      %div3A_69 = arith.divf %div3A_68, %select_n3A : vector<16xf32>
      %jit3A_70 = arith.constant 0.000000e+00 : f32
      %broadcast_in_dim3A_71 = vector.broadcast %jit3A_70 : f32 to vector<16xf32>
      %select_n3A_72 = arith.select %eq3A_63, %broadcast_in_dim3A_71, %div3A_69 : vector<16xi1>, vector<16xf32>
      %broadcast_in_dim3A_73 = arith.constant 0.000000e+00 : f32
      %broadcast_in_dim3A_74 = vector.broadcast %broadcast_in_dim3A_73 : f32 to vector<16xf32>
      %scan3A_75 = arith.constant 0 : i32
      %scan3A_76 = arith.constant 50 : i32
      %scan3A_77 = arith.addi %scan3A_75, %scan3A_76 : i32
      %scan3A_78 = arith.constant 10 : i32
      %scan3A_79 = scf.for %scan3A_210 = %scan3A_75 to %scan3A_77 step %scan3A_78 iter_args(%scan3A_211 = %broadcast_in_dim3A_74) -> (vector<16xf32>)  : i32 {
        %get3A_212 = arith.index_cast %scan3A_210 : i32 to index
        %get3A_213 = arith.constant 16 : index
        %get3A_214 = tpu.vector_load %arg5[%get3A_212, %get3A_213] {strides = array<i32>} : memref<50x32xi32, #tpu.memory_space<vmem>>, vector<16xi32>,
        %eq3A_215 = arith.constant 0 : i32
        %eq3A_216 = vector.broadcast %eq3A_215 : i32 to vector<16xi32>
        %eq3A_217 = arith.cmpi eq, %get3A_214, %eq3A_216 : vector<16xi32>
        %jit3A_218 = arith.constant 1.000000e+00 : f32
        %jit3A_219 = arith.constant 0.000000e+00 : f32
        %broadcast_in_dim3A_220 = vector.broadcast %jit3A_218 : f32 to vector<16xf32>
        %broadcast_in_dim3A_221 = vector.broadcast %jit3A_219 : f32 to vector<16xf32>
        %select_n3A_222 = arith.select %eq3A_217, %broadcast_in_dim3A_220, %broadcast_in_dim3A_221 : vector<16xi1>, vector<16xf32>
        %add3A_223 = arith.addf %scan3A_211, %select_n3A_222 : vector<16xf32>
        %scan3A_224 = arith.constant 1 : i32
        %scan3A_225 = arith.addi %scan3A_210, %scan3A_224 : i32
        %get3A_226 = arith.index_cast %scan3A_225 : i32 to index
        %get3A_227 = arith.constant 16 : index
        %get3A_228 = tpu.vector_load %arg5[%get3A_226, %get3A_227] {strides = array<i32>} : memref<50x32xi32, #tpu.memory_space<vmem>>, vector<16xi32>,
        %eq3A_229 = arith.constant 0 : i32
        %eq3A_230 = vector.broadcast %eq3A_229 : i32 to vector<16xi32>
        %eq3A_231 = arith.cmpi eq, %get3A_228, %eq3A_230 : vector<16xi32>
        %jit3A_232 = arith.constant 1.000000e+00 : f32
        %jit3A_233 = arith.constant 0.000000e+00 : f32
        %broadcast_in_dim3A_234 = vector.broadcast %jit3A_232 : f32 to vector<16xf32>
        %broadcast_in_dim3A_235 = vector.broadcast %jit3A_233 : f32 to vector<16xf32>
        %select_n3A_236 = arith.select %eq3A_231, %broadcast_in_dim3A_234, %broadcast_in_dim3A_235 : vector<16xi1>, vector<16xf32>
        %add3A_237 = arith.addf %add3A_223, %select_n3A_236 : vector<16xf32>
        %scan3A_238 = arith.constant 2 : i32
        %scan3A_239 = arith.addi %scan3A_210, %scan3A_238 : i32
        %get3A_240 = arith.index_cast %scan3A_239 : i32 to index
        %get3A_241 = arith.constant 16 : index
        %get3A_242 = tpu.vector_load %arg5[%get3A_240, %get3A_241] {strides = array<i32>} : memref<50x32xi32, #tpu.memory_space<vmem>>, vector<16xi32>,
        %eq3A_243 = arith.constant 0 : i32
        %eq3A_244 = vector.broadcast %eq3A_243 : i32 to vector<16xi32>
        %eq3A_245 = arith.cmpi eq, %get3A_242, %eq3A_244 : vector<16xi32>
        %jit3A_246 = arith.constant 1.000000e+00 : f32
        %jit3A_247 = arith.constant 0.000000e+00 : f32
        %broadcast_in_dim3A_248 = vector.broadcast %jit3A_246 : f32 to vector<16xf32>
        %broadcast_in_dim3A_249 = vector.broadcast %jit3A_247 : f32 to vector<16xf32>
        %select_n3A_250 = arith.select %eq3A_245, %broadcast_in_dim3A_248, %broadcast_in_dim3A_249 : vector<16xi1>, vector<16xf32>
        %add3A_251 = arith.addf %add3A_237, %select_n3A_250 : vector<16xf32>
        %scan3A_252 = arith.constant 3 : i32
        %scan3A_253 = arith.addi %scan3A_210, %scan3A_252 : i32
        %get3A_254 = arith.index_cast %scan3A_253 : i32 to index
        %get3A_255 = arith.constant 16 : index
        %get3A_256 = tpu.vector_load %arg5[%get3A_254, %get3A_255] {strides = array<i32>} : memref<50x32xi32, #tpu.memory_space<vmem>>, vector<16xi32>,
        %eq3A_257 = arith.constant 0 : i32
        %eq3A_258 = vector.broadcast %eq3A_257 : i32 to vector<16xi32>
        %eq3A_259 = arith.cmpi eq, %get3A_256, %eq3A_258 : vector<16xi32>
        %jit3A_260 = arith.constant 1.000000e+00 : f32
        %jit3A_261 = arith.constant 0.000000e+00 : f32
        %broadcast_in_dim3A_262 = vector.broadcast %jit3A_260 : f32 to vector<16xf32>
        %broadcast_in_dim3A_263 = vector.broadcast %jit3A_261 : f32 to vector<16xf32>
        %select_n3A_264 = arith.select %eq3A_259, %broadcast_in_dim3A_262, %broadcast_in_dim3A_263 : vector<16xi1>, vector<16xf32>
        %add3A_265 = arith.addf %add3A_251, %select_n3A_264 : vector<16xf32>
        %scan3A_266 = arith.constant 4 : i32
        %scan3A_267 = arith.addi %scan3A_210, %scan3A_266 : i32
        %get3A_268 = arith.index_cast %scan3A_267 : i32 to index
        %get3A_269 = arith.constant 16 : index
        %get3A_270 = tpu.vector_load %arg5[%get3A_268, %get3A_269] {strides = array<i32>} : memref<50x32xi32, #tpu.memory_space<vmem>>, vector<16xi32>,
        %eq3A_271 = arith.constant 0 : i32
        %eq3A_272 = vector.broadcast %eq3A_271 : i32 to vector<16xi32>
        %eq3A_273 = arith.cmpi eq, %get3A_270, %eq3A_272 : vector<16xi32>
        %jit3A_274 = arith.constant 1.000000e+00 : f32
        %jit3A_275 = arith.constant 0.000000e+00 : f32
        %broadcast_in_dim3A_276 = vector.broadcast %jit3A_274 : f32 to vector<16xf32>
        %broadcast_in_dim3A_277 = vector.broadcast %jit3A_275 : f32 to vector<16xf32>
        %select_n3A_278 = arith.select %eq3A_273, %broadcast_in_dim3A_276, %broadcast_in_dim3A_277 : vector<16xi1>, vector<16xf32>
        %add3A_279 = arith.addf %add3A_265, %select_n3A_278 : vector<16xf32>
        %scan3A_280 = arith.constant 5 : i32
        %scan3A_281 = arith.addi %scan3A_210, %scan3A_280 : i32
        %get3A_282 = arith.index_cast %scan3A_281 : i32 to index
        %get3A_283 = arith.constant 16 : index
        %get3A_284 = tpu.vector_load %arg5[%get3A_282, %get3A_283] {strides = array<i32>} : memref<50x32xi32, #tpu.memory_space<vmem>>, vector<16xi32>,
        %eq3A_285 = arith.constant 0 : i32
        %eq3A_286 = vector.broadcast %eq3A_285 : i32 to vector<16xi32>
        %eq3A_287 = arith.cmpi eq, %get3A_284, %eq3A_286 : vector<16xi32>
        %jit3A_288 = arith.constant 1.000000e+00 : f32
        %jit3A_289 = arith.constant 0.000000e+00 : f32
        %broadcast_in_dim3A_290 = vector.broadcast %jit3A_288 : f32 to vector<16xf32>
        %broadcast_in_dim3A_291 = vector.broadcast %jit3A_289 : f32 to vector<16xf32>
        %select_n3A_292 = arith.select %eq3A_287, %broadcast_in_dim3A_290, %broadcast_in_dim3A_291 : vector<16xi1>, vector<16xf32>
        %add3A_293 = arith.addf %add3A_279, %select_n3A_292 : vector<16xf32>
        %scan3A_294 = arith.constant 6 : i32
        %scan3A_295 = arith.addi %scan3A_210, %scan3A_294 : i32
        %get3A_296 = arith.index_cast %scan3A_295 : i32 to index
        %get3A_297 = arith.constant 16 : index
        %get3A_298 = tpu.vector_load %arg5[%get3A_296, %get3A_297] {strides = array<i32>} : memref<50x32xi32, #tpu.memory_space<vmem>>, vector<16xi32>,
        %eq3A_299 = arith.constant 0 : i32
        %eq3A_300 = vector.broadcast %eq3A_299 : i32 to vector<16xi32>
        %eq3A_301 = arith.cmpi eq, %get3A_298, %eq3A_300 : vector<16xi32>
        %jit3A_302 = arith.constant 1.000000e+00 : f32
        %jit3A_303 = arith.constant 0.000000e+00 : f32
        %broadcast_in_dim3A_304 = vector.broadcast %jit3A_302 : f32 to vector<16xf32>
        %broadcast_in_dim3A_305 = vector.broadcast %jit3A_303 : f32 to vector<16xf32>
        %select_n3A_306 = arith.select %eq3A_301, %broadcast_in_dim3A_304, %broadcast_in_dim3A_305 : vector<16xi1>, vector<16xf32>
        %add3A_307 = arith.addf %add3A_293, %select_n3A_306 : vector<16xf32>
        %scan3A_308 = arith.constant 7 : i32
        %scan3A_309 = arith.addi %scan3A_210, %scan3A_308 : i32
        %get3A_310 = arith.index_cast %scan3A_309 : i32 to index
        %get3A_311 = arith.constant 16 : index
        %get3A_312 = tpu.vector_load %arg5[%get3A_310, %get3A_311] {strides = array<i32>} : memref<50x32xi32, #tpu.memory_space<vmem>>, vector<16xi32>,
        %eq3A_313 = arith.constant 0 : i32
        %eq3A_314 = vector.broadcast %eq3A_313 : i32 to vector<16xi32>
        %eq3A_315 = arith.cmpi eq, %get3A_312, %eq3A_314 : vector<16xi32>
        %jit3A_316 = arith.constant 1.000000e+00 : f32
        %jit3A_317 = arith.constant 0.000000e+00 : f32
        %broadcast_in_dim3A_318 = vector.broadcast %jit3A_316 : f32 to vector<16xf32>
        %broadcast_in_dim3A_319 = vector.broadcast %jit3A_317 : f32 to vector<16xf32>
        %select_n3A_320 = arith.select %eq3A_315, %broadcast_in_dim3A_318, %broadcast_in_dim3A_319 : vector<16xi1>, vector<16xf32>
        %add3A_321 = arith.addf %add3A_307, %select_n3A_320 : vector<16xf32>
        %scan3A_322 = arith.constant 8 : i32
        %scan3A_323 = arith.addi %scan3A_210, %scan3A_322 : i32
        %get3A_324 = arith.index_cast %scan3A_323 : i32 to index
        %get3A_325 = arith.constant 16 : index
        %get3A_326 = tpu.vector_load %arg5[%get3A_324, %get3A_325] {strides = array<i32>} : memref<50x32xi32, #tpu.memory_space<vmem>>, vector<16xi32>,
        %eq3A_327 = arith.constant 0 : i32
        %eq3A_328 = vector.broadcast %eq3A_327 : i32 to vector<16xi32>
        %eq3A_329 = arith.cmpi eq, %get3A_326, %eq3A_328 : vector<16xi32>
        %jit3A_330 = arith.constant 1.000000e+00 : f32
        %jit3A_331 = arith.constant 0.000000e+00 : f32
        %broadcast_in_dim3A_332 = vector.broadcast %jit3A_330 : f32 to vector<16xf32>
        %broadcast_in_dim3A_333 = vector.broadcast %jit3A_331 : f32 to vector<16xf32>
        %select_n3A_334 = arith.select %eq3A_329, %broadcast_in_dim3A_332, %broadcast_in_dim3A_333 : vector<16xi1>, vector<16xf32>
        %add3A_335 = arith.addf %add3A_321, %select_n3A_334 : vector<16xf32>
        %scan3A_336 = arith.constant 9 : i32
        %scan3A_337 = arith.addi %scan3A_210, %scan3A_336 : i32
        %get3A_338 = arith.index_cast %scan3A_337 : i32 to index
        %get3A_339 = arith.constant 16 : index
        %get3A_340 = tpu.vector_load %arg5[%get3A_338, %get3A_339] {strides = array<i32>} : memref<50x32xi32, #tpu.memory_space<vmem>>, vector<16xi32>,
        %eq3A_341 = arith.constant 0 : i32
        %eq3A_342 = vector.broadcast %eq3A_341 : i32 to vector<16xi32>
        %eq3A_343 = arith.cmpi eq, %get3A_340, %eq3A_342 : vector<16xi32>
        %jit3A_344 = arith.constant 1.000000e+00 : f32
        %jit3A_345 = arith.constant 0.000000e+00 : f32
        %broadcast_in_dim3A_346 = vector.broadcast %jit3A_344 : f32 to vector<16xf32>
        %broadcast_in_dim3A_347 = vector.broadcast %jit3A_345 : f32 to vector<16xf32>
        %select_n3A_348 = arith.select %eq3A_343, %broadcast_in_dim3A_346, %broadcast_in_dim3A_347 : vector<16xi1>, vector<16xf32>
        %add3A_349 = arith.addf %add3A_335, %select_n3A_348 : vector<16xf32>
        scf.yield %add3A_349 : vector<16xf32>
      }
      %scan3A_80 = arith.constant 50 : i32
      %sub3A_81 = arith.constant 5.000000e+01 : f32
      %sub3A_82 = vector.broadcast %sub3A_81 : f32 to vector<16xf32>
      %sub3A_83 = arith.subf %sub3A_82, %scan3A_79 : vector<16xf32>
      %eq3A_84 = arith.constant 0.000000e+00 : f32
      %eq3A_85 = vector.broadcast %eq3A_84 : f32 to vector<16xf32>
      %eq3A_86 = arith.cmpf oeq, %sub3A_83, %eq3A_85 : vector<16xf32>
      %eq3A_87 = arith.constant 0.000000e+00 : f32
      %eq3A_88 = vector.broadcast %eq3A_87 : f32 to vector<16xf32>
      %eq3A_89 = arith.cmpf oeq, %sub3A_83, %eq3A_88 : vector<16xf32>
      %jit3A_90 = arith.constant 1.000000e+00 : f32
      %broadcast_in_dim3A_91 = vector.broadcast %jit3A_90 : f32 to vector<16xf32>
      %select_n3A_92 = arith.select %eq3A_89, %broadcast_in_dim3A_91, %sub3A_83 : vector<16xi1>, vector<16xf32>
      %div3A_93 = arith.constant 1.000000e+00 : f32
      %div3A_94 = vector.broadcast %div3A_93 : f32 to vector<16xf32>
      %div3A_95 = arith.divf %div3A_94, %select_n3A_92 : vector<16xf32>
      %jit3A_96 = arith.constant 0.000000e+00 : f32
      %broadcast_in_dim3A_97 = vector.broadcast %jit3A_96 : f32 to vector<16xf32>
      %select_n3A_98 = arith.select %eq3A_86, %broadcast_in_dim3A_97, %div3A_95 : vector<16xi1>, vector<16xf32>
      %dma_wait3A_99 = arith.constant 0 : i32
      %dma_wait3A_100 = arith.constant 0 : i32
      %dma_wait3A_101 = tpu.memref_slice %arg3[%dma_wait3A_99, %dma_wait3A_100] : memref<1000000x32xf32, #tpu.memory_space<hbm>> -> memref<1600x32xf32, #tpu.memory_space<hbm>>
      %dma_wait3A_102 = arith.constant 0 : i32
      %dma_wait3A_103 = arith.constant 0 : i32
      %dma_wait3A_104 = tpu.memref_slice %arg3[%dma_wait3A_102, %dma_wait3A_103] : memref<1000000x32xf32, #tpu.memory_space<hbm>> -> memref<1600x32xf32, #tpu.memory_space<hbm>>
      tpu.wait_dma2 semaphore(%arg12 : memref<!tpu.dma_semaphore, #tpu.memory_space<semaphore_mem>>) src(%dma_wait3A_104 : memref<1600x32xf32, #tpu.memory_space<hbm>>) dst(%arg7 : memref<1600x32xf32, #tpu.memory_space<vmem>>)
      %gt3A_105 = arith.constant 0 : i32
      %gt3A_106 = arith.cmpi sgt, %scan3A_36, %gt3A_105 : i32
      %convert_element_type3A_107 = arith.extui %gt3A_106 : i1 to i32
      %cond3A_108 = arith.constant 0 : i32
      %cond3A_109 = arith.cmpi ne, %convert_element_type3A_107, %cond3A_108 : i32
      scf.if %cond3A_109 {
        %dma_wait3A_210 = arith.constant 0 : i32
        %dma_wait3A_211 = arith.constant 0 : i32
        %dma_wait3A_212 = tpu.memref_slice %arg4[%dma_wait3A_210, %dma_wait3A_211] : memref<16384x32xf32, #tpu.memory_space<hbm>> -> memref<32x32xf32, #tpu.memory_space<hbm>>
        %dma_wait3A_213 = arith.constant 0 : i32
        %dma_wait3A_214 = arith.constant 0 : i32
        %dma_wait3A_215 = tpu.memref_slice %arg4[%dma_wait3A_213, %dma_wait3A_214] : memref<16384x32xf32, #tpu.memory_space<hbm>> -> memref<32x32xf32, #tpu.memory_space<hbm>>
        tpu.wait_dma2 semaphore(%arg16 : memref<!tpu.dma_semaphore, #tpu.memory_space<semaphore_mem>>) src(%arg9 : memref<32x32xf32, #tpu.memory_space<vmem>>) dst(%dma_wait3A_215 : memref<32x32xf32, #tpu.memory_space<hbm>>)
      } else {
      }
      %scan3A_110 = arith.constant 0 : i32
      %scan3A_111 = arith.constant 0 : i32
      %scan3A_112 = arith.constant 32 : i32
      %scan3A_113 = arith.addi %scan3A_111, %scan3A_112 : i32
      %scan3A_114 = arith.constant 1 : i32
      %scan3A_115 = scf.for %scan3A_210 = %scan3A_111 to %scan3A_113 step %scan3A_114 iter_args(%scan3A_211 = %scan3A_110) -> (i32)  : i32 {
        %broadcast_in_dim3A_212 = arith.constant 0.000000e+00 : f32
        %broadcast_in_dim3A_213 = vector.broadcast %broadcast_in_dim3A_212 : f32 to vector<16xf32>
        %broadcast_in_dim3A_214 = arith.constant 0.000000e+00 : f32
        %broadcast_in_dim3A_215 = vector.broadcast %broadcast_in_dim3A_214 : f32 to vector<16xf32>
        %scan3A_216 = arith.constant 0 : i32
        %scan3A_217 = arith.constant 50 : i32
        %scan3A_218 = arith.addi %scan3A_216, %scan3A_217 : i32
        %scan3A_219 = arith.constant 10 : i32
        %scan3A_220:2 = scf.for %scan3A_273 = %scan3A_216 to %scan3A_218 step %scan3A_219 iter_args(%scan3A_274 = %broadcast_in_dim3A_213, %scan3A_275 = %broadcast_in_dim3A_215) -> (vector<16xf32>, vector<16xf32>)  : i32 {
          %mul3A_276 = arith.constant 32 : i32
          %mul3A_277 = arith.muli %scan3A_273, %mul3A_276 : i32
          %add3A_278 = arith.addi %mul3A_277, %scan3A_210 : i32
          %get3A_279 = arith.index_cast %add3A_278 : i32 to index
          %get3A_280 = arith.constant 0 : index
          %get3A_281 = tpu.vector_load %arg7[%get3A_279, %get3A_280] {strides = array<i32>} : memref<1600x32xf32, #tpu.memory_space<vmem>>, vector<16xf32>,
          %add3A_282 = arith.addf %scan3A_274, %get3A_281 : vector<16xf32>
          %mul3A_283 = arith.constant 32 : i32
          %mul3A_284 = arith.muli %scan3A_273, %mul3A_283 : i32
          %add3A_285 = arith.addi %mul3A_284, %scan3A_210 : i32
          %get3A_286 = arith.index_cast %add3A_285 : i32 to index
          %get3A_287 = arith.constant 16 : index
          %get3A_288 = tpu.vector_load %arg7[%get3A_286, %get3A_287] {strides = array<i32>} : memref<1600x32xf32, #tpu.memory_space<vmem>>, vector<16xf32>,
          %add3A_289 = arith.addf %scan3A_275, %get3A_288 : vector<16xf32>
          %scan3A_290 = arith.constant 1 : i32
          %scan3A_291 = arith.addi %scan3A_273, %scan3A_290 : i32
          %mul3A_292 = arith.constant 32 : i32
          %mul3A_293 = arith.muli %scan3A_291, %mul3A_292 : i32
          %add3A_294 = arith.addi %mul3A_293, %scan3A_210 : i32
          %get3A_295 = arith.index_cast %add3A_294 : i32 to index
          %get3A_296 = arith.constant 0 : index
          %get3A_297 = tpu.vector_load %arg7[%get3A_295, %get3A_296] {strides = array<i32>} : memref<1600x32xf32, #tpu.memory_space<vmem>>, vector<16xf32>,
          %add3A_298 = arith.addf %add3A_282, %get3A_297 : vector<16xf32>
          %mul3A_299 = arith.constant 32 : i32
          %mul3A_300 = arith.muli %scan3A_291, %mul3A_299 : i32
          %add3A_301 = arith.addi %mul3A_300, %scan3A_210 : i32
          %get3A_302 = arith.index_cast %add3A_301 : i32 to index
          %get3A_303 = arith.constant 16 : index
          %get3A_304 = tpu.vector_load %arg7[%get3A_302, %get3A_303] {strides = array<i32>} : memref<1600x32xf32, #tpu.memory_space<vmem>>, vector<16xf32>,
          %add3A_305 = arith.addf %add3A_289, %get3A_304 : vector<16xf32>
          %scan3A_306 = arith.constant 2 : i32
          %scan3A_307 = arith.addi %scan3A_273, %scan3A_306 : i32
          %mul3A_308 = arith.constant 32 : i32
          %mul3A_309 = arith.muli %scan3A_307, %mul3A_308 : i32
          %add3A_310 = arith.addi %mul3A_309, %scan3A_210 : i32
          %get3A_311 = arith.index_cast %add3A_310 : i32 to index
          %get3A_312 = arith.constant 0 : index
          %get3A_313 = tpu.vector_load %arg7[%get3A_311, %get3A_312] {strides = array<i32>} : memref<1600x32xf32, #tpu.memory_space<vmem>>, vector<16xf32>,
          %add3A_314 = arith.addf %add3A_298, %get3A_313 : vector<16xf32>
          %mul3A_315 = arith.constant 32 : i32
          %mul3A_316 = arith.muli %scan3A_307, %mul3A_315 : i32
          %add3A_317 = arith.addi %mul3A_316, %scan3A_210 : i32
          %get3A_318 = arith.index_cast %add3A_317 : i32 to index
          %get3A_319 = arith.constant 16 : index
          %get3A_320 = tpu.vector_load %arg7[%get3A_318, %get3A_319] {strides = array<i32>} : memref<1600x32xf32, #tpu.memory_space<vmem>>, vector<16xf32>,
          %add3A_321 = arith.addf %add3A_305, %get3A_320 : vector<16xf32>
          %scan3A_322 = arith.constant 3 : i32
          %scan3A_323 = arith.addi %scan3A_273, %scan3A_322 : i32
          %mul3A_324 = arith.constant 32 : i32
          %mul3A_325 = arith.muli %scan3A_323, %mul3A_324 : i32
          %add3A_326 = arith.addi %mul3A_325, %scan3A_210 : i32
          %get3A_327 = arith.index_cast %add3A_326 : i32 to index
          %get3A_328 = arith.constant 0 : index
          %get3A_329 = tpu.vector_load %arg7[%get3A_327, %get3A_328] {strides = array<i32>} : memref<1600x32xf32, #tpu.memory_space<vmem>>, vector<16xf32>,
          %add3A_330 = arith.addf %add3A_314, %get3A_329 : vector<16xf32>
          %mul3A_331 = arith.constant 32 : i32
          %mul3A_332 = arith.muli %scan3A_323, %mul3A_331 : i32
          %add3A_333 = arith.addi %mul3A_332, %scan3A_210 : i32
          %get3A_334 = arith.index_cast %add3A_333 : i32 to index
          %get3A_335 = arith.constant 16 : index
          %get3A_336 = tpu.vector_load %arg7[%get3A_334, %get3A_335] {strides = array<i32>} : memref<1600x32xf32, #tpu.memory_space<vmem>>, vector<16xf32>,
          %add3A_337 = arith.addf %add3A_321, %get3A_336 : vector<16xf32>
          %scan3A_338 = arith.constant 4 : i32
          %scan3A_339 = arith.addi %scan3A_273, %scan3A_338 : i32
          %mul3A_340 = arith.constant 32 : i32
          %mul3A_341 = arith.muli %scan3A_339, %mul3A_340 : i32
          %add3A_342 = arith.addi %mul3A_341, %scan3A_210 : i32
          %get3A_343 = arith.index_cast %add3A_342 : i32 to index
          %get3A_344 = arith.constant 0 : index
          %get3A_345 = tpu.vector_load %arg7[%get3A_343, %get3A_344] {strides = array<i32>} : memref<1600x32xf32, #tpu.memory_space<vmem>>, vector<16xf32>,
          %add3A_346 = arith.addf %add3A_330, %get3A_345 : vector<16xf32>
          %mul3A_347 = arith.constant 32 : i32
          %mul3A_348 = arith.muli %scan3A_339, %mul3A_347 : i32
          %add3A_349 = arith.addi %mul3A_348, %scan3A_210 : i32
          %get3A_350 = arith.index_cast %add3A_349 : i32 to index
          %get3A_351 = arith.constant 16 : index
          %get3A_352 = tpu.vector_load %arg7[%get3A_350, %get3A_351] {strides = array<i32>} : memref<1600x32xf32, #tpu.memory_space<vmem>>, vector<16xf32>,
          %add3A_353 = arith.addf %add3A_337, %get3A_352 : vector<16xf32>
          %scan3A_354 = arith.constant 5 : i32
          %scan3A_355 = arith.addi %scan3A_273, %scan3A_354 : i32
          %mul3A_356 = arith.constant 32 : i32
          %mul3A_357 = arith.muli %scan3A_355, %mul3A_356 : i32
          %add3A_358 = arith.addi %mul3A_357, %scan3A_210 : i32
          %get3A_359 = arith.index_cast %add3A_358 : i32 to index
          %get3A_360 = arith.constant 0 : index
          %get3A_361 = tpu.vector_load %arg7[%get3A_359, %get3A_360] {strides = array<i32>} : memref<1600x32xf32, #tpu.memory_space<vmem>>, vector<16xf32>,
          %add3A_362 = arith.addf %add3A_346, %get3A_361 : vector<16xf32>
          %mul3A_363 = arith.constant 32 : i32
          %mul3A_364 = arith.muli %scan3A_355, %mul3A_363 : i32
          %add3A_365 = arith.addi %mul3A_364, %scan3A_210 : i32
          %get3A_366 = arith.index_cast %add3A_365 : i32 to index
          %get3A_367 = arith.constant 16 : index
          %get3A_368 = tpu.vector_load %arg7[%get3A_366, %get3A_367] {strides = array<i32>} : memref<1600x32xf32, #tpu.memory_space<vmem>>, vector<16xf32>,
          %add3A_369 = arith.addf %add3A_353, %get3A_368 : vector<16xf32>
          %scan3A_370 = arith.constant 6 : i32
          %scan3A_371 = arith.addi %scan3A_273, %scan3A_370 : i32
          %mul3A_372 = arith.constant 32 : i32
          %mul3A_373 = arith.muli %scan3A_371, %mul3A_372 : i32
          %add3A_374 = arith.addi %mul3A_373, %scan3A_210 : i32
          %get3A_375 = arith.index_cast %add3A_374 : i32 to index
          %get3A_376 = arith.constant 0 : index
          %get3A_377 = tpu.vector_load %arg7[%get3A_375, %get3A_376] {strides = array<i32>} : memref<1600x32xf32, #tpu.memory_space<vmem>>, vector<16xf32>,
          %add3A_378 = arith.addf %add3A_362, %get3A_377 : vector<16xf32>
          %mul3A_379 = arith.constant 32 : i32
          %mul3A_380 = arith.muli %scan3A_371, %mul3A_379 : i32
          %add3A_381 = arith.addi %mul3A_380, %scan3A_210 : i32
          %get3A_382 = arith.index_cast %add3A_381 : i32 to index
          %get3A_383 = arith.constant 16 : index
          %get3A_384 = tpu.vector_load %arg7[%get3A_382, %get3A_383] {strides = array<i32>} : memref<1600x32xf32, #tpu.memory_space<vmem>>, vector<16xf32>,
          %add3A_385 = arith.addf %add3A_369, %get3A_384 : vector<16xf32>
          %scan3A_386 = arith.constant 7 : i32
          %scan3A_387 = arith.addi %scan3A_273, %scan3A_386 : i32
          %mul3A_388 = arith.constant 32 : i32
          %mul3A_389 = arith.muli %scan3A_387, %mul3A_388 : i32
          %add3A_390 = arith.addi %mul3A_389, %scan3A_210 : i32
          %get3A_391 = arith.index_cast %add3A_390 : i32 to index
          %get3A_392 = arith.constant 0 : index
          %get3A_393 = tpu.vector_load %arg7[%get3A_391, %get3A_392] {strides = array<i32>} : memref<1600x32xf32, #tpu.memory_space<vmem>>, vector<16xf32>,
          %add3A_394 = arith.addf %add3A_378, %get3A_393 : vector<16xf32>
          %mul3A_395 = arith.constant 32 : i32
          %mul3A_396 = arith.muli %scan3A_387, %mul3A_395 : i32
          %add3A_397 = arith.addi %mul3A_396, %scan3A_210 : i32
          %get3A_398 = arith.index_cast %add3A_397 : i32 to index
          %get3A_399 = arith.constant 16 : index
          %get3A_400 = tpu.vector_load %arg7[%get3A_398, %get3A_399] {strides = array<i32>} : memref<1600x32xf32, #tpu.memory_space<vmem>>, vector<16xf32>,
          %add3A_401 = arith.addf %add3A_385, %get3A_400 : vector<16xf32>
          %scan3A_402 = arith.constant 8 : i32
          %scan3A_403 = arith.addi %scan3A_273, %scan3A_402 : i32
          %mul3A_404 = arith.constant 32 : i32
          %mul3A_405 = arith.muli %scan3A_403, %mul3A_404 : i32
          %add3A_406 = arith.addi %mul3A_405, %scan3A_210 : i32
          %get3A_407 = arith.index_cast %add3A_406 : i32 to index
          %get3A_408 = arith.constant 0 : index
          %get3A_409 = tpu.vector_load %arg7[%get3A_407, %get3A_408] {strides = array<i32>} : memref<1600x32xf32, #tpu.memory_space<vmem>>, vector<16xf32>,
          %add3A_410 = arith.addf %add3A_394, %get3A_409 : vector<16xf32>
          %mul3A_411 = arith.constant 32 : i32
          %mul3A_412 = arith.muli %scan3A_403, %mul3A_411 : i32
          %add3A_413 = arith.addi %mul3A_412, %scan3A_210 : i32
          %get3A_414 = arith.index_cast %add3A_413 : i32 to index
          %get3A_415 = arith.constant 16 : index
          %get3A_416 = tpu.vector_load %arg7[%get3A_414, %get3A_415] {strides = array<i32>} : memref<1600x32xf32, #tpu.memory_space<vmem>>, vector<16xf32>,
          %add3A_417 = arith.addf %add3A_401, %get3A_416 : vector<16xf32>
          %scan3A_418 = arith.constant 9 : i32
          %scan3A_419 = arith.addi %scan3A_273, %scan3A_418 : i32
          %mul3A_420 = arith.constant 32 : i32
          %mul3A_421 = arith.muli %scan3A_419, %mul3A_420 : i32
          %add3A_422 = arith.addi %mul3A_421, %scan3A_210 : i32
          %get3A_423 = arith.index_cast %add3A_422 : i32 to index
          %get3A_424 = arith.constant 0 : index
          %get3A_425 = tpu.vector_load %arg7[%get3A_423, %get3A_424] {strides = array<i32>} : memref<1600x32xf32, #tpu.memory_space<vmem>>, vector<16xf32>,
          %add3A_426 = arith.addf %add3A_410, %get3A_425 : vector<16xf32>
          %mul3A_427 = arith.constant 32 : i32
          %mul3A_428 = arith.muli %scan3A_419, %mul3A_427 : i32
          %add3A_429 = arith.addi %mul3A_428, %scan3A_210 : i32
          %get3A_430 = arith.index_cast %add3A_429 : i32 to index
          %get3A_431 = arith.constant 16 : index
          %get3A_432 = tpu.vector_load %arg7[%get3A_430, %get3A_431] {strides = array<i32>} : memref<1600x32xf32, #tpu.memory_space<vmem>>, vector<16xf32>,
          %add3A_433 = arith.addf %add3A_417, %get3A_432 : vector<16xf32>
          scf.yield %add3A_426, %add3A_433 : vector<16xf32>, vector<16xf32>
        }
        %scan3A_221 = arith.constant 50 : i32
        %jit3A_222 = arith.constant 16 : i32
        %div3A_223 = arith.divsi %scan3A_210, %jit3A_222 : i32
        %sign3A = arith.constant 0 : i32
        %sign3A_224 = arith.cmpi sgt, %scan3A_210, %sign3A : i32
        %sign3A_225 = arith.extui %sign3A_224 : i1 to i32
        %sign3A_226 = arith.constant 0 : i32
        %sign3A_227 = arith.cmpi slt, %scan3A_210, %sign3A_226 : i32
        %sign3A_228 = arith.extui %sign3A_227 : i1 to i32
        %sign3A_229 = arith.subi %sign3A_225, %sign3A_228 : i32
        %sign3A_230 = arith.constant 0 : i32
        %sign3A_231 = arith.cmpi sgt, %jit3A_222, %sign3A_230 : i32
        %sign3A_232 = arith.extui %sign3A_231 : i1 to i32
        %sign3A_233 = arith.constant 0 : i32
        %sign3A_234 = arith.cmpi slt, %jit3A_222, %sign3A_233 : i32
        %sign3A_235 = arith.extui %sign3A_234 : i1 to i32
        %sign3A_236 = arith.subi %sign3A_232, %sign3A_235 : i32
        %ne3A = arith.cmpi ne, %sign3A_229, %sign3A_236 : i32
        %rem3A = arith.remsi %scan3A_210, %jit3A_222 : i32
        %ne3A_237 = arith.constant 0 : i32
        %ne3A_238 = arith.cmpi ne, %rem3A, %ne3A_237 : i32
        %and3A = arith.andi %ne3A, %ne3A_238 : i1
        %sub3A_239 = arith.constant 1 : i32
        %sub3A_240 = arith.subi %div3A_223, %sub3A_239 : i32
        %select_n3A_241 = arith.select %and3A, %sub3A_240, %div3A_223 : i32
        %mul3A_242 = arith.constant 16 : i32
        %mul3A_243 = arith.muli %select_n3A_241, %mul3A_242 : i32
        %sub3A_244 = arith.subi %scan3A_210, %mul3A_243 : i32
        %broadcast_in_dim3A_245 = vector.broadcast %sub3A_244 : i32 to vector<16xi32>
        %broadcast_in_dim3A_246 = vector.broadcast %select_n3A_241 : i32 to vector<16xi32>
        %eq3A_247 = arith.constant 0 : i32
        %eq3A_248 = vector.broadcast %eq3A_247 : i32 to vector<16xi32>
        %eq3A_249 = arith.cmpi eq, %broadcast_in_dim3A_246, %eq3A_248 : vector<16xi32>
        %select_n3A_250 = arith.select %eq3A_249, %scan3A_58, %scan3A_79 : vector<16xi1>, vector<16xf32>
        %broadcast_in_dim3A_251 = vector.broadcast %select_n3A_241 : i32 to vector<16xi32>
        %eq3A_252 = arith.constant 0 : i32
        %eq3A_253 = vector.broadcast %eq3A_252 : i32 to vector<16xi32>
        %eq3A_254 = arith.cmpi eq, %broadcast_in_dim3A_251, %eq3A_253 : vector<16xi32>
        %select_n3A_255 = arith.select %eq3A_254, %select_n3A_72, %select_n3A_98 : vector<16xi1>, vector<16xf32>
        %broadcast_in_dim3A_256 = vector.shape_cast %broadcast_in_dim3A_245 : vector<16xi32> to vector<16x1xi32>
        %gather3A = vector.shape_cast %broadcast_in_dim3A_256 : vector<16x1xi32> to vector<16xi32>
        %gather3A_257 = tpu.dynamic_gather %select_n3A_250[%gather3A] in [0] : vector<16xf32>, vector<16xi32> -> vector<16xf32>
        %broadcast_in_dim3A_258 = vector.shape_cast %broadcast_in_dim3A_245 : vector<16xi32> to vector<16x1xi32>
        %gather3A_259 = vector.shape_cast %broadcast_in_dim3A_258 : vector<16x1xi32> to vector<16xi32>
        %gather3A_260 = tpu.dynamic_gather %select_n3A_255[%gather3A_259] in [0] : vector<16xf32>, vector<16xi32> -> vector<16xf32>
        %mul3A_261 = arith.mulf %gather3A_257, %get3A_5 : vector<16xf32>
        %sub3A_262 = arith.subf %scan3A_220#0, %mul3A_261 : vector<16xf32>
        %mul3A_263 = arith.mulf %sub3A_262, %gather3A_260 : vector<16xf32>
        %swap3A = arith.index_cast %scan3A_210 : i32 to index
        %swap3A_264 = arith.constant 0 : index
        %swap3A_265 = tpu.vector_load %arg9[%swap3A, %swap3A_264] {strides = array<i32>} : memref<32x32xf32, #tpu.memory_space<vmem>>, vector<16xf32>,
        tpu.vector_store %arg9[%swap3A, %swap3A_264], %mul3A_263 {strides = array<i32>} : memref<32x32xf32, #tpu.memory_space<vmem>>, vector<16xf32>,
        %mul3A_266 = arith.mulf %gather3A_257, %get3A_9 : vector<16xf32>
        %sub3A_267 = arith.subf %scan3A_220#1, %mul3A_266 : vector<16xf32>
        %mul3A_268 = arith.mulf %sub3A_267, %gather3A_260 : vector<16xf32>
        %swap3A_269 = arith.index_cast %scan3A_210 : i32 to index
        %swap3A_270 = arith.constant 16 : index
        %swap3A_271 = tpu.vector_load %arg9[%swap3A_269, %swap3A_270] {strides = array<i32>} : memref<32x32xf32, #tpu.memory_space<vmem>>, vector<16xf32>,
        tpu.vector_store %arg9[%swap3A_269, %swap3A_270], %mul3A_268 {strides = array<i32>} : memref<32x32xf32, #tpu.memory_space<vmem>>, vector<16xf32>,
        %scan3A_272 = arith.constant 0 : i32
        scf.yield %scan3A_272 : i32
      }
      %scan3A_116 = arith.constant 32 : i32
      %mul3A_117 = arith.constant 32 : i32
      %mul3A_118 = arith.muli %mul3A_39, %mul3A_117 : i32
      %add3A_119 = arith.addi %mul3A_2, %mul3A_118 : i32
      %dma_start3A = arith.constant 0 : i32
      %dma_start3A_120 = tpu.memref_slice %arg4[%add3A_119, %dma_start3A] : memref<16384x32xf32, #tpu.memory_space<hbm>> -> memref<32x32xf32, #tpu.memory_space<hbm>>
      %dma_start3A_121 = arith.constant 0 : i32
      %dma_start3A_122 = tpu.memref_slice %arg4[%add3A_119, %dma_start3A_121] : memref<16384x32xf32, #tpu.memory_space<hbm>> -> memref<32x32xf32, #tpu.memory_space<hbm>>
      tpu.enqueue_dma source(%arg9 : memref<32x32xf32, #tpu.memory_space<vmem>>) target(%dma_start3A_122 : memref<32x32xf32, #tpu.memory_space<hbm>>) target_semaphore(%arg16 : memref<!tpu.dma_semaphore, #tpu.memory_space<semaphore_mem>>)
      %lt3A = arith.constant 7 : i32
      %lt3A_123 = arith.cmpi slt, %scan3A_36, %lt3A : i32
      %convert_element_type3A_124 = arith.extui %lt3A_123 : i1 to i32
      %cond3A_125 = arith.constant 0 : i32
      %cond3A_126 = arith.cmpi ne, %convert_element_type3A_124, %cond3A_125 : i32
      scf.if %cond3A_126 {
        %add3A_210 = arith.constant 2 : i32
        %add3A_211 = arith.addi %mul3A_39, %add3A_210 : i32
        %mul3A_212 = arith.constant 32 : i32
        %mul3A_213 = arith.muli %add3A_211, %mul3A_212 : i32
        %add3A_214 = arith.addi %mul3A_2, %mul3A_213 : i32
        %dma_start3A_215 = arith.constant 0 : i32
        %dma_start3A_216 = tpu.memref_slice %arg2[%dma_start3A_215, %add3A_214] : memref<50x16384xi32, #tpu.memory_space<hbm>> -> memref<50x32xi32, #tpu.memory_space<hbm>>
        %dma_start3A_217 = arith.constant 0 : i32
        %dma_start3A_218 = tpu.memref_slice %arg2[%dma_start3A_217, %add3A_214] : memref<50x16384xi32, #tpu.memory_space<hbm>> -> memref<50x32xi32, #tpu.memory_space<hbm>>
        tpu.enqueue_dma source(%dma_start3A_218 : memref<50x32xi32, #tpu.memory_space<hbm>>) target(%arg5 : memref<50x32xi32, #tpu.memory_space<vmem>>) target_semaphore(%arg14 : memref<!tpu.dma_semaphore, #tpu.memory_space<semaphore_mem>>)
        %dma_wait3A_219 = arith.constant 0 : i32
        %dma_wait3A_220 = arith.constant 0 : i32
        %dma_wait3A_221 = tpu.memref_slice %arg2[%dma_wait3A_219, %dma_wait3A_220] : memref<50x16384xi32, #tpu.memory_space<hbm>> -> memref<50x32xi32, #tpu.memory_space<hbm>>
        %dma_wait3A_222 = arith.constant 0 : i32
        %dma_wait3A_223 = arith.constant 0 : i32
        %dma_wait3A_224 = tpu.memref_slice %arg2[%dma_wait3A_222, %dma_wait3A_223] : memref<50x16384xi32, #tpu.memory_space<hbm>> -> memref<50x32xi32, #tpu.memory_space<hbm>>
        tpu.wait_dma2 semaphore(%arg14 : memref<!tpu.dma_semaphore, #tpu.memory_space<semaphore_mem>>) src(%dma_wait3A_224 : memref<50x32xi32, #tpu.memory_space<hbm>>) dst(%arg5 : memref<50x32xi32, #tpu.memory_space<vmem>>)
        %scan3A_225 = arith.constant 0 : i32
        %scan3A_226 = arith.constant 0 : i32
        %scan3A_227 = arith.constant 50 : i32
        %scan3A_228 = arith.addi %scan3A_226, %scan3A_227 : i32
        %scan3A_229 = arith.constant 1 : i32
        %scan3A_230 = scf.for %scan3A_232 = %scan3A_226 to %scan3A_228 step %scan3A_229 iter_args(%scan3A_233 = %scan3A_225) -> (i32)  : i32 {
          %mul3A_234 = arith.constant 32 : i32
          %mul3A_235 = arith.muli %scan3A_232, %mul3A_234 : i32
          %dma_start3A_236 = arith.constant 0 : i32
          %dma_start3A_237 = tpu.memref_slice %arg7[%mul3A_235, %dma_start3A_236] : memref<1600x32xf32, #tpu.memory_space<vmem>> -> memref<32x32xf32, #tpu.memory_space<vmem>>
          %dma_start3A_238 = arith.constant 0 : i32
          %dma_start3A_239 = tpu.memref_slice %arg5[%scan3A_232, %dma_start3A_238] : memref<50x32xi32, #tpu.memory_space<vmem>> -> memref<1x32xi32, #tpu.memory_space<vmem>>
          %dma_start3A_240 = tpu.memref_squeeze %dma_start3A_239 : memref<1x32xi32, #tpu.memory_space<vmem>> -> memref<32xi32, #tpu.memory_space<vmem>>
          %dma_start3A_241 = arith.constant 0 : i32
          %dma_start3A_242 = arith.constant 0 : i32
          %dma_start3A_243 = tpu.memref_slice %arg3[%dma_start3A_241, %dma_start3A_242] : memref<1000000x32xf32, #tpu.memory_space<hbm>> -> memref<1000000x32xf32, #tpu.memory_space<hbm>>
          tpu.enqueue_indirect_dma source(%dma_start3A_243 : memref<1000000x32xf32, #tpu.memory_space<hbm>>) target(%dma_start3A_237 : memref<32x32xf32, #tpu.memory_space<vmem>>) offsets(%dma_start3A_240 : memref<32xi32, #tpu.memory_space<vmem>>) semaphore(%arg12 : memref<!tpu.dma_semaphore, #tpu.memory_space<semaphore_mem>>)
          %scan3A_244 = arith.constant 0 : i32
          scf.yield %scan3A_244 : i32
        }
        %scan3A_231 = arith.constant 50 : i32
      } else {
      }
      %broadcast_in_dim3A_127 = arith.constant 0.000000e+00 : f32
      %broadcast_in_dim3A_128 = vector.broadcast %broadcast_in_dim3A_127 : f32 to vector<16xf32>
      %scan3A_129 = arith.constant 0 : i32
      %scan3A_130 = arith.constant 50 : i32
      %scan3A_131 = arith.addi %scan3A_129, %scan3A_130 : i32
      %scan3A_132 = arith.constant 10 : i32
      %scan3A_133 = scf.for %scan3A_210 = %scan3A_129 to %scan3A_131 step %scan3A_132 iter_args(%scan3A_211 = %broadcast_in_dim3A_128) -> (vector<16xf32>)  : i32 {
        %get3A_212 = arith.index_cast %scan3A_210 : i32 to index
        %get3A_213 = arith.constant 0 : index
        %get3A_214 = tpu.vector_load %arg6[%get3A_212, %get3A_213] {strides = array<i32>} : memref<50x32xi32, #tpu.memory_space<vmem>>, vector<16xi32>,
        %eq3A_215 = arith.constant 0 : i32
        %eq3A_216 = vector.broadcast %eq3A_215 : i32 to vector<16xi32>
        %eq3A_217 = arith.cmpi eq, %get3A_214, %eq3A_216 : vector<16xi32>
        %jit3A_218 = arith.constant 1.000000e+00 : f32
        %jit3A_219 = arith.constant 0.000000e+00 : f32
        %broadcast_in_dim3A_220 = vector.broadcast %jit3A_218 : f32 to vector<16xf32>
        %broadcast_in_dim3A_221 = vector.broadcast %jit3A_219 : f32 to vector<16xf32>
        %select_n3A_222 = arith.select %eq3A_217, %broadcast_in_dim3A_220, %broadcast_in_dim3A_221 : vector<16xi1>, vector<16xf32>
        %add3A_223 = arith.addf %scan3A_211, %select_n3A_222 : vector<16xf32>
        %scan3A_224 = arith.constant 1 : i32
        %scan3A_225 = arith.addi %scan3A_210, %scan3A_224 : i32
        %get3A_226 = arith.index_cast %scan3A_225 : i32 to index
        %get3A_227 = arith.constant 0 : index
        %get3A_228 = tpu.vector_load %arg6[%get3A_226, %get3A_227] {strides = array<i32>} : memref<50x32xi32, #tpu.memory_space<vmem>>, vector<16xi32>,
        %eq3A_229 = arith.constant 0 : i32
        %eq3A_230 = vector.broadcast %eq3A_229 : i32 to vector<16xi32>
        %eq3A_231 = arith.cmpi eq, %get3A_228, %eq3A_230 : vector<16xi32>
        %jit3A_232 = arith.constant 1.000000e+00 : f32
        %jit3A_233 = arith.constant 0.000000e+00 : f32
        %broadcast_in_dim3A_234 = vector.broadcast %jit3A_232 : f32 to vector<16xf32>
        %broadcast_in_dim3A_235 = vector.broadcast %jit3A_233 : f32 to vector<16xf32>
        %select_n3A_236 = arith.select %eq3A_231, %broadcast_in_dim3A_234, %broadcast_in_dim3A_235 : vector<16xi1>, vector<16xf32>
        %add3A_237 = arith.addf %add3A_223, %select_n3A_236 : vector<16xf32>
        %scan3A_238 = arith.constant 2 : i32
        %scan3A_239 = arith.addi %scan3A_210, %scan3A_238 : i32
        %get3A_240 = arith.index_cast %scan3A_239 : i32 to index
        %get3A_241 = arith.constant 0 : index
        %get3A_242 = tpu.vector_load %arg6[%get3A_240, %get3A_241] {strides = array<i32>} : memref<50x32xi32, #tpu.memory_space<vmem>>, vector<16xi32>,
        %eq3A_243 = arith.constant 0 : i32
        %eq3A_244 = vector.broadcast %eq3A_243 : i32 to vector<16xi32>
        %eq3A_245 = arith.cmpi eq, %get3A_242, %eq3A_244 : vector<16xi32>
        %jit3A_246 = arith.constant 1.000000e+00 : f32
        %jit3A_247 = arith.constant 0.000000e+00 : f32
        %broadcast_in_dim3A_248 = vector.broadcast %jit3A_246 : f32 to vector<16xf32>
        %broadcast_in_dim3A_249 = vector.broadcast %jit3A_247 : f32 to vector<16xf32>
        %select_n3A_250 = arith.select %eq3A_245, %broadcast_in_dim3A_248, %broadcast_in_dim3A_249 : vector<16xi1>, vector<16xf32>
        %add3A_251 = arith.addf %add3A_237, %select_n3A_250 : vector<16xf32>
        %scan3A_252 = arith.constant 3 : i32
        %scan3A_253 = arith.addi %scan3A_210, %scan3A_252 : i32
        %get3A_254 = arith.index_cast %scan3A_253 : i32 to index
        %get3A_255 = arith.constant 0 : index
        %get3A_256 = tpu.vector_load %arg6[%get3A_254, %get3A_255] {strides = array<i32>} : memref<50x32xi32, #tpu.memory_space<vmem>>, vector<16xi32>,
        %eq3A_257 = arith.constant 0 : i32
        %eq3A_258 = vector.broadcast %eq3A_257 : i32 to vector<16xi32>
        %eq3A_259 = arith.cmpi eq, %get3A_256, %eq3A_258 : vector<16xi32>
        %jit3A_260 = arith.constant 1.000000e+00 : f32
        %jit3A_261 = arith.constant 0.000000e+00 : f32
        %broadcast_in_dim3A_262 = vector.broadcast %jit3A_260 : f32 to vector<16xf32>
        %broadcast_in_dim3A_263 = vector.broadcast %jit3A_261 : f32 to vector<16xf32>
        %select_n3A_264 = arith.select %eq3A_259, %broadcast_in_dim3A_262, %broadcast_in_dim3A_263 : vector<16xi1>, vector<16xf32>
        %add3A_265 = arith.addf %add3A_251, %select_n3A_264 : vector<16xf32>
        %scan3A_266 = arith.constant 4 : i32
        %scan3A_267 = arith.addi %scan3A_210, %scan3A_266 : i32
        %get3A_268 = arith.index_cast %scan3A_267 : i32 to index
        %get3A_269 = arith.constant 0 : index
        %get3A_270 = tpu.vector_load %arg6[%get3A_268, %get3A_269] {strides = array<i32>} : memref<50x32xi32, #tpu.memory_space<vmem>>, vector<16xi32>,
        %eq3A_271 = arith.constant 0 : i32
        %eq3A_272 = vector.broadcast %eq3A_271 : i32 to vector<16xi32>
        %eq3A_273 = arith.cmpi eq, %get3A_270, %eq3A_272 : vector<16xi32>
        %jit3A_274 = arith.constant 1.000000e+00 : f32
        %jit3A_275 = arith.constant 0.000000e+00 : f32
        %broadcast_in_dim3A_276 = vector.broadcast %jit3A_274 : f32 to vector<16xf32>
        %broadcast_in_dim3A_277 = vector.broadcast %jit3A_275 : f32 to vector<16xf32>
        %select_n3A_278 = arith.select %eq3A_273, %broadcast_in_dim3A_276, %broadcast_in_dim3A_277 : vector<16xi1>, vector<16xf32>
        %add3A_279 = arith.addf %add3A_265, %select_n3A_278 : vector<16xf32>
        %scan3A_280 = arith.constant 5 : i32
        %scan3A_281 = arith.addi %scan3A_210, %scan3A_280 : i32
        %get3A_282 = arith.index_cast %scan3A_281 : i32 to index
        %get3A_283 = arith.constant 0 : index
        %get3A_284 = tpu.vector_load %arg6[%get3A_282, %get3A_283] {strides = array<i32>} : memref<50x32xi32, #tpu.memory_space<vmem>>, vector<16xi32>,
        %eq3A_285 = arith.constant 0 : i32
        %eq3A_286 = vector.broadcast %eq3A_285 : i32 to vector<16xi32>
        %eq3A_287 = arith.cmpi eq, %get3A_284, %eq3A_286 : vector<16xi32>
        %jit3A_288 = arith.constant 1.000000e+00 : f32
        %jit3A_289 = arith.constant 0.000000e+00 : f32
        %broadcast_in_dim3A_290 = vector.broadcast %jit3A_288 : f32 to vector<16xf32>
        %broadcast_in_dim3A_291 = vector.broadcast %jit3A_289 : f32 to vector<16xf32>
        %select_n3A_292 = arith.select %eq3A_287, %broadcast_in_dim3A_290, %broadcast_in_dim3A_291 : vector<16xi1>, vector<16xf32>
        %add3A_293 = arith.addf %add3A_279, %select_n3A_292 : vector<16xf32>
        %scan3A_294 = arith.constant 6 : i32
        %scan3A_295 = arith.addi %scan3A_210, %scan3A_294 : i32
        %get3A_296 = arith.index_cast %scan3A_295 : i32 to index
        %get3A_297 = arith.constant 0 : index
        %get3A_298 = tpu.vector_load %arg6[%get3A_296, %get3A_297] {strides = array<i32>} : memref<50x32xi32, #tpu.memory_space<vmem>>, vector<16xi32>,
        %eq3A_299 = arith.constant 0 : i32
        %eq3A_300 = vector.broadcast %eq3A_299 : i32 to vector<16xi32>
        %eq3A_301 = arith.cmpi eq, %get3A_298, %eq3A_300 : vector<16xi32>
        %jit3A_302 = arith.constant 1.000000e+00 : f32
        %jit3A_303 = arith.constant 0.000000e+00 : f32
        %broadcast_in_dim3A_304 = vector.broadcast %jit3A_302 : f32 to vector<16xf32>
        %broadcast_in_dim3A_305 = vector.broadcast %jit3A_303 : f32 to vector<16xf32>
        %select_n3A_306 = arith.select %eq3A_301, %broadcast_in_dim3A_304, %broadcast_in_dim3A_305 : vector<16xi1>, vector<16xf32>
        %add3A_307 = arith.addf %add3A_293, %select_n3A_306 : vector<16xf32>
        %scan3A_308 = arith.constant 7 : i32
        %scan3A_309 = arith.addi %scan3A_210, %scan3A_308 : i32
        %get3A_310 = arith.index_cast %scan3A_309 : i32 to index
        %get3A_311 = arith.constant 0 : index
        %get3A_312 = tpu.vector_load %arg6[%get3A_310, %get3A_311] {strides = array<i32>} : memref<50x32xi32, #tpu.memory_space<vmem>>, vector<16xi32>,
        %eq3A_313 = arith.constant 0 : i32
        %eq3A_314 = vector.broadcast %eq3A_313 : i32 to vector<16xi32>
        %eq3A_315 = arith.cmpi eq, %get3A_312, %eq3A_314 : vector<16xi32>
        %jit3A_316 = arith.constant 1.000000e+00 : f32
        %jit3A_317 = arith.constant 0.000000e+00 : f32
        %broadcast_in_dim3A_318 = vector.broadcast %jit3A_316 : f32 to vector<16xf32>
        %broadcast_in_dim3A_319 = vector.broadcast %jit3A_317 : f32 to vector<16xf32>
        %select_n3A_320 = arith.select %eq3A_315, %broadcast_in_dim3A_318, %broadcast_in_dim3A_319 : vector<16xi1>, vector<16xf32>
        %add3A_321 = arith.addf %add3A_307, %select_n3A_320 : vector<16xf32>
        %scan3A_322 = arith.constant 8 : i32
        %scan3A_323 = arith.addi %scan3A_210, %scan3A_322 : i32
        %get3A_324 = arith.index_cast %scan3A_323 : i32 to index
        %get3A_325 = arith.constant 0 : index
        %get3A_326 = tpu.vector_load %arg6[%get3A_324, %get3A_325] {strides = array<i32>} : memref<50x32xi32, #tpu.memory_space<vmem>>, vector<16xi32>,
        %eq3A_327 = arith.constant 0 : i32
        %eq3A_328 = vector.broadcast %eq3A_327 : i32 to vector<16xi32>
        %eq3A_329 = arith.cmpi eq, %get3A_326, %eq3A_328 : vector<16xi32>
        %jit3A_330 = arith.constant 1.000000e+00 : f32
        %jit3A_331 = arith.constant 0.000000e+00 : f32
        %broadcast_in_dim3A_332 = vector.broadcast %jit3A_330 : f32 to vector<16xf32>
        %broadcast_in_dim3A_333 = vector.broadcast %jit3A_331 : f32 to vector<16xf32>
        %select_n3A_334 = arith.select %eq3A_329, %broadcast_in_dim3A_332, %broadcast_in_dim3A_333 : vector<16xi1>, vector<16xf32>
        %add3A_335 = arith.addf %add3A_321, %select_n3A_334 : vector<16xf32>
        %scan3A_336 = arith.constant 9 : i32
        %scan3A_337 = arith.addi %scan3A_210, %scan3A_336 : i32
        %get3A_338 = arith.index_cast %scan3A_337 : i32 to index
        %get3A_339 = arith.constant 0 : index
        %get3A_340 = tpu.vector_load %arg6[%get3A_338, %get3A_339] {strides = array<i32>} : memref<50x32xi32, #tpu.memory_space<vmem>>, vector<16xi32>,
        %eq3A_341 = arith.constant 0 : i32
        %eq3A_342 = vector.broadcast %eq3A_341 : i32 to vector<16xi32>
        %eq3A_343 = arith.cmpi eq, %get3A_340, %eq3A_342 : vector<16xi32>
        %jit3A_344 = arith.constant 1.000000e+00 : f32
        %jit3A_345 = arith.constant 0.000000e+00 : f32
        %broadcast_in_dim3A_346 = vector.broadcast %jit3A_344 : f32 to vector<16xf32>
        %broadcast_in_dim3A_347 = vector.broadcast %jit3A_345 : f32 to vector<16xf32>
        %select_n3A_348 = arith.select %eq3A_343, %broadcast_in_dim3A_346, %broadcast_in_dim3A_347 : vector<16xi1>, vector<16xf32>
        %add3A_349 = arith.addf %add3A_335, %select_n3A_348 : vector<16xf32>
        scf.yield %add3A_349 : vector<16xf32>
      }
      %scan3A_134 = arith.constant 50 : i32
      %sub3A_135 = arith.constant 5.000000e+01 : f32
      %sub3A_136 = vector.broadcast %sub3A_135 : f32 to vector<16xf32>
      %sub3A_137 = arith.subf %sub3A_136, %scan3A_133 : vector<16xf32>
      %eq3A_138 = arith.constant 0.000000e+00 : f32
      %eq3A_139 = vector.broadcast %eq3A_138 : f32 to vector<16xf32>
      %eq3A_140 = arith.cmpf oeq, %sub3A_137, %eq3A_139 : vector<16xf32>
      %eq3A_141 = arith.constant 0.000000e+00 : f32
      %eq3A_142 = vector.broadcast %eq3A_141 : f32 to vector<16xf32>
      %eq3A_143 = arith.cmpf oeq, %sub3A_137, %eq3A_142 : vector<16xf32>
      %jit3A_144 = arith.constant 1.000000e+00 : f32
      %broadcast_in_dim3A_145 = vector.broadcast %jit3A_144 : f32 to vector<16xf32>
      %select_n3A_146 = arith.select %eq3A_143, %broadcast_in_dim3A_145, %sub3A_137 : vector<16xi1>, vector<16xf32>
      %div3A_147 = arith.constant 1.000000e+00 : f32
      %div3A_148 = vector.broadcast %div3A_147 : f32 to vector<16xf32>
      %div3A_149 = arith.divf %div3A_148, %select_n3A_146 : vector<16xf32>
      %jit3A_150 = arith.constant 0.000000e+00 : f32
      %broadcast_in_dim3A_151 = vector.broadcast %jit3A_150 : f32 to vector<16xf32>
      %select_n3A_152 = arith.select %eq3A_140, %broadcast_in_dim3A_151, %div3A_149 : vector<16xi1>, vector<16xf32>
      %broadcast_in_dim3A_153 = arith.constant 0.000000e+00 : f32
      %broadcast_in_dim3A_154 = vector.broadcast %broadcast_in_dim3A_153 : f32 to vector<16xf32>
      %scan3A_155 = arith.constant 0 : i32
      %scan3A_156 = arith.constant 50 : i32
      %scan3A_157 = arith.addi %scan3A_155, %scan3A_156 : i32
      %scan3A_158 = arith.constant 10 : i32
      %scan3A_159 = scf.for %scan3A_210 = %scan3A_155 to %scan3A_157 step %scan3A_158 iter_args(%scan3A_211 = %broadcast_in_dim3A_154) -> (vector<16xf32>)  : i32 {
        %get3A_212 = arith.index_cast %scan3A_210 : i32 to index
        %get3A_213 = arith.constant 16 : index
        %get3A_214 = tpu.vector_load %arg6[%get3A_212, %get3A_213] {strides = array<i32>} : memref<50x32xi32, #tpu.memory_space<vmem>>, vector<16xi32>,
        %eq3A_215 = arith.constant 0 : i32
        %eq3A_216 = vector.broadcast %eq3A_215 : i32 to vector<16xi32>
        %eq3A_217 = arith.cmpi eq, %get3A_214, %eq3A_216 : vector<16xi32>
        %jit3A_218 = arith.constant 1.000000e+00 : f32
        %jit3A_219 = arith.constant 0.000000e+00 : f32
        %broadcast_in_dim3A_220 = vector.broadcast %jit3A_218 : f32 to vector<16xf32>
        %broadcast_in_dim3A_221 = vector.broadcast %jit3A_219 : f32 to vector<16xf32>
        %select_n3A_222 = arith.select %eq3A_217, %broadcast_in_dim3A_220, %broadcast_in_dim3A_221 : vector<16xi1>, vector<16xf32>
        %add3A_223 = arith.addf %scan3A_211, %select_n3A_222 : vector<16xf32>
        %scan3A_224 = arith.constant 1 : i32
        %scan3A_225 = arith.addi %scan3A_210, %scan3A_224 : i32
        %get3A_226 = arith.index_cast %scan3A_225 : i32 to index
        %get3A_227 = arith.constant 16 : index
        %get3A_228 = tpu.vector_load %arg6[%get3A_226, %get3A_227] {strides = array<i32>} : memref<50x32xi32, #tpu.memory_space<vmem>>, vector<16xi32>,
        %eq3A_229 = arith.constant 0 : i32
        %eq3A_230 = vector.broadcast %eq3A_229 : i32 to vector<16xi32>
        %eq3A_231 = arith.cmpi eq, %get3A_228, %eq3A_230 : vector<16xi32>
        %jit3A_232 = arith.constant 1.000000e+00 : f32
        %jit3A_233 = arith.constant 0.000000e+00 : f32
        %broadcast_in_dim3A_234 = vector.broadcast %jit3A_232 : f32 to vector<16xf32>
        %broadcast_in_dim3A_235 = vector.broadcast %jit3A_233 : f32 to vector<16xf32>
        %select_n3A_236 = arith.select %eq3A_231, %broadcast_in_dim3A_234, %broadcast_in_dim3A_235 : vector<16xi1>, vector<16xf32>
        %add3A_237 = arith.addf %add3A_223, %select_n3A_236 : vector<16xf32>
        %scan3A_238 = arith.constant 2 : i32
        %scan3A_239 = arith.addi %scan3A_210, %scan3A_238 : i32
        %get3A_240 = arith.index_cast %scan3A_239 : i32 to index
        %get3A_241 = arith.constant 16 : index
        %get3A_242 = tpu.vector_load %arg6[%get3A_240, %get3A_241] {strides = array<i32>} : memref<50x32xi32, #tpu.memory_space<vmem>>, vector<16xi32>,
        %eq3A_243 = arith.constant 0 : i32
        %eq3A_244 = vector.broadcast %eq3A_243 : i32 to vector<16xi32>
        %eq3A_245 = arith.cmpi eq, %get3A_242, %eq3A_244 : vector<16xi32>
        %jit3A_246 = arith.constant 1.000000e+00 : f32
        %jit3A_247 = arith.constant 0.000000e+00 : f32
        %broadcast_in_dim3A_248 = vector.broadcast %jit3A_246 : f32 to vector<16xf32>
        %broadcast_in_dim3A_249 = vector.broadcast %jit3A_247 : f32 to vector<16xf32>
        %select_n3A_250 = arith.select %eq3A_245, %broadcast_in_dim3A_248, %broadcast_in_dim3A_249 : vector<16xi1>, vector<16xf32>
        %add3A_251 = arith.addf %add3A_237, %select_n3A_250 : vector<16xf32>
        %scan3A_252 = arith.constant 3 : i32
        %scan3A_253 = arith.addi %scan3A_210, %scan3A_252 : i32
        %get3A_254 = arith.index_cast %scan3A_253 : i32 to index
        %get3A_255 = arith.constant 16 : index
        %get3A_256 = tpu.vector_load %arg6[%get3A_254, %get3A_255] {strides = array<i32>} : memref<50x32xi32, #tpu.memory_space<vmem>>, vector<16xi32>,
        %eq3A_257 = arith.constant 0 : i32
        %eq3A_258 = vector.broadcast %eq3A_257 : i32 to vector<16xi32>
        %eq3A_259 = arith.cmpi eq, %get3A_256, %eq3A_258 : vector<16xi32>
        %jit3A_260 = arith.constant 1.000000e+00 : f32
        %jit3A_261 = arith.constant 0.000000e+00 : f32
        %broadcast_in_dim3A_262 = vector.broadcast %jit3A_260 : f32 to vector<16xf32>
        %broadcast_in_dim3A_263 = vector.broadcast %jit3A_261 : f32 to vector<16xf32>
        %select_n3A_264 = arith.select %eq3A_259, %broadcast_in_dim3A_262, %broadcast_in_dim3A_263 : vector<16xi1>, vector<16xf32>
        %add3A_265 = arith.addf %add3A_251, %select_n3A_264 : vector<16xf32>
        %scan3A_266 = arith.constant 4 : i32
        %scan3A_267 = arith.addi %scan3A_210, %scan3A_266 : i32
        %get3A_268 = arith.index_cast %scan3A_267 : i32 to index
        %get3A_269 = arith.constant 16 : index
        %get3A_270 = tpu.vector_load %arg6[%get3A_268, %get3A_269] {strides = array<i32>} : memref<50x32xi32, #tpu.memory_space<vmem>>, vector<16xi32>,
        %eq3A_271 = arith.constant 0 : i32
        %eq3A_272 = vector.broadcast %eq3A_271 : i32 to vector<16xi32>
        %eq3A_273 = arith.cmpi eq, %get3A_270, %eq3A_272 : vector<16xi32>
        %jit3A_274 = arith.constant 1.000000e+00 : f32
        %jit3A_275 = arith.constant 0.000000e+00 : f32
        %broadcast_in_dim3A_276 = vector.broadcast %jit3A_274 : f32 to vector<16xf32>
        %broadcast_in_dim3A_277 = vector.broadcast %jit3A_275 : f32 to vector<16xf32>
        %select_n3A_278 = arith.select %eq3A_273, %broadcast_in_dim3A_276, %broadcast_in_dim3A_277 : vector<16xi1>, vector<16xf32>
        %add3A_279 = arith.addf %add3A_265, %select_n3A_278 : vector<16xf32>
        %scan3A_280 = arith.constant 5 : i32
        %scan3A_281 = arith.addi %scan3A_210, %scan3A_280 : i32
        %get3A_282 = arith.index_cast %scan3A_281 : i32 to index
        %get3A_283 = arith.constant 16 : index
        %get3A_284 = tpu.vector_load %arg6[%get3A_282, %get3A_283] {strides = array<i32>} : memref<50x32xi32, #tpu.memory_space<vmem>>, vector<16xi32>,
        %eq3A_285 = arith.constant 0 : i32
        %eq3A_286 = vector.broadcast %eq3A_285 : i32 to vector<16xi32>
        %eq3A_287 = arith.cmpi eq, %get3A_284, %eq3A_286 : vector<16xi32>
        %jit3A_288 = arith.constant 1.000000e+00 : f32
        %jit3A_289 = arith.constant 0.000000e+00 : f32
        %broadcast_in_dim3A_290 = vector.broadcast %jit3A_288 : f32 to vector<16xf32>
        %broadcast_in_dim3A_291 = vector.broadcast %jit3A_289 : f32 to vector<16xf32>
        %select_n3A_292 = arith.select %eq3A_287, %broadcast_in_dim3A_290, %broadcast_in_dim3A_291 : vector<16xi1>, vector<16xf32>
        %add3A_293 = arith.addf %add3A_279, %select_n3A_292 : vector<16xf32>
        %scan3A_294 = arith.constant 6 : i32
        %scan3A_295 = arith.addi %scan3A_210, %scan3A_294 : i32
        %get3A_296 = arith.index_cast %scan3A_295 : i32 to index
        %get3A_297 = arith.constant 16 : index
        %get3A_298 = tpu.vector_load %arg6[%get3A_296, %get3A_297] {strides = array<i32>} : memref<50x32xi32, #tpu.memory_space<vmem>>, vector<16xi32>,
        %eq3A_299 = arith.constant 0 : i32
        %eq3A_300 = vector.broadcast %eq3A_299 : i32 to vector<16xi32>
        %eq3A_301 = arith.cmpi eq, %get3A_298, %eq3A_300 : vector<16xi32>
        %jit3A_302 = arith.constant 1.000000e+00 : f32
        %jit3A_303 = arith.constant 0.000000e+00 : f32
        %broadcast_in_dim3A_304 = vector.broadcast %jit3A_302 : f32 to vector<16xf32>
        %broadcast_in_dim3A_305 = vector.broadcast %jit3A_303 : f32 to vector<16xf32>
        %select_n3A_306 = arith.select %eq3A_301, %broadcast_in_dim3A_304, %broadcast_in_dim3A_305 : vector<16xi1>, vector<16xf32>
        %add3A_307 = arith.addf %add3A_293, %select_n3A_306 : vector<16xf32>
        %scan3A_308 = arith.constant 7 : i32
        %scan3A_309 = arith.addi %scan3A_210, %scan3A_308 : i32
        %get3A_310 = arith.index_cast %scan3A_309 : i32 to index
        %get3A_311 = arith.constant 16 : index
        %get3A_312 = tpu.vector_load %arg6[%get3A_310, %get3A_311] {strides = array<i32>} : memref<50x32xi32, #tpu.memory_space<vmem>>, vector<16xi32>,
        %eq3A_313 = arith.constant 0 : i32
        %eq3A_314 = vector.broadcast %eq3A_313 : i32 to vector<16xi32>
        %eq3A_315 = arith.cmpi eq, %get3A_312, %eq3A_314 : vector<16xi32>
        %jit3A_316 = arith.constant 1.000000e+00 : f32
        %jit3A_317 = arith.constant 0.000000e+00 : f32
        %broadcast_in_dim3A_318 = vector.broadcast %jit3A_316 : f32 to vector<16xf32>
        %broadcast_in_dim3A_319 = vector.broadcast %jit3A_317 : f32 to vector<16xf32>
        %select_n3A_320 = arith.select %eq3A_315, %broadcast_in_dim3A_318, %broadcast_in_dim3A_319 : vector<16xi1>, vector<16xf32>
        %add3A_321 = arith.addf %add3A_307, %select_n3A_320 : vector<16xf32>
        %scan3A_322 = arith.constant 8 : i32
        %scan3A_323 = arith.addi %scan3A_210, %scan3A_322 : i32
        %get3A_324 = arith.index_cast %scan3A_323 : i32 to index
        %get3A_325 = arith.constant 16 : index
        %get3A_326 = tpu.vector_load %arg6[%get3A_324, %get3A_325] {strides = array<i32>} : memref<50x32xi32, #tpu.memory_space<vmem>>, vector<16xi32>,
        %eq3A_327 = arith.constant 0 : i32
        %eq3A_328 = vector.broadcast %eq3A_327 : i32 to vector<16xi32>
        %eq3A_329 = arith.cmpi eq, %get3A_326, %eq3A_328 : vector<16xi32>
        %jit3A_330 = arith.constant 1.000000e+00 : f32
        %jit3A_331 = arith.constant 0.000000e+00 : f32
        %broadcast_in_dim3A_332 = vector.broadcast %jit3A_330 : f32 to vector<16xf32>
        %broadcast_in_dim3A_333 = vector.broadcast %jit3A_331 : f32 to vector<16xf32>
        %select_n3A_334 = arith.select %eq3A_329, %broadcast_in_dim3A_332, %broadcast_in_dim3A_333 : vector<16xi1>, vector<16xf32>
        %add3A_335 = arith.addf %add3A_321, %select_n3A_334 : vector<16xf32>
        %scan3A_336 = arith.constant 9 : i32
        %scan3A_337 = arith.addi %scan3A_210, %scan3A_336 : i32
        %get3A_338 = arith.index_cast %scan3A_337 : i32 to index
        %get3A_339 = arith.constant 16 : index
        %get3A_340 = tpu.vector_load %arg6[%get3A_338, %get3A_339] {strides = array<i32>} : memref<50x32xi32, #tpu.memory_space<vmem>>, vector<16xi32>,
        %eq3A_341 = arith.constant 0 : i32
        %eq3A_342 = vector.broadcast %eq3A_341 : i32 to vector<16xi32>
        %eq3A_343 = arith.cmpi eq, %get3A_340, %eq3A_342 : vector<16xi32>
        %jit3A_344 = arith.constant 1.000000e+00 : f32
        %jit3A_345 = arith.constant 0.000000e+00 : f32
        %broadcast_in_dim3A_346 = vector.broadcast %jit3A_344 : f32 to vector<16xf32>
        %broadcast_in_dim3A_347 = vector.broadcast %jit3A_345 : f32 to vector<16xf32>
        %select_n3A_348 = arith.select %eq3A_343, %broadcast_in_dim3A_346, %broadcast_in_dim3A_347 : vector<16xi1>, vector<16xf32>
        %add3A_349 = arith.addf %add3A_335, %select_n3A_348 : vector<16xf32>
        scf.yield %add3A_349 : vector<16xf32>
      }
      %scan3A_160 = arith.constant 50 : i32
      %sub3A_161 = arith.constant 5.000000e+01 : f32
      %sub3A_162 = vector.broadcast %sub3A_161 : f32 to vector<16xf32>
      %sub3A_163 = arith.subf %sub3A_162, %scan3A_159 : vector<16xf32>
      %eq3A_164 = arith.constant 0.000000e+00 : f32
      %eq3A_165 = vector.broadcast %eq3A_164 : f32 to vector<16xf32>
      %eq3A_166 = arith.cmpf oeq, %sub3A_163, %eq3A_165 : vector<16xf32>
      %eq3A_167 = arith.constant 0.000000e+00 : f32
      %eq3A_168 = vector.broadcast %eq3A_167 : f32 to vector<16xf32>
      %eq3A_169 = arith.cmpf oeq, %sub3A_163, %eq3A_168 : vector<16xf32>
      %jit3A_170 = arith.constant 1.000000e+00 : f32
      %broadcast_in_dim3A_171 = vector.broadcast %jit3A_170 : f32 to vector<16xf32>
      %select_n3A_172 = arith.select %eq3A_169, %broadcast_in_dim3A_171, %sub3A_163 : vector<16xi1>, vector<16xf32>
      %div3A_173 = arith.constant 1.000000e+00 : f32
      %div3A_174 = vector.broadcast %div3A_173 : f32 to vector<16xf32>
      %div3A_175 = arith.divf %div3A_174, %select_n3A_172 : vector<16xf32>
      %jit3A_176 = arith.constant 0.000000e+00 : f32
      %broadcast_in_dim3A_177 = vector.broadcast %jit3A_176 : f32 to vector<16xf32>
      %select_n3A_178 = arith.select %eq3A_166, %broadcast_in_dim3A_177, %div3A_175 : vector<16xi1>, vector<16xf32>
      %dma_wait3A_179 = arith.constant 0 : i32
      %dma_wait3A_180 = arith.constant 0 : i32
      %dma_wait3A_181 = tpu.memref_slice %arg3[%dma_wait3A_179, %dma_wait3A_180] : memref<1000000x32xf32, #tpu.memory_space<hbm>> -> memref<1600x32xf32, #tpu.memory_space<hbm>>
      %dma_wait3A_182 = arith.constant 0 : i32
      %dma_wait3A_183 = arith.constant 0 : i32
      %dma_wait3A_184 = tpu.memref_slice %arg3[%dma_wait3A_182, %dma_wait3A_183] : memref<1000000x32xf32, #tpu.memory_space<hbm>> -> memref<1600x32xf32, #tpu.memory_space<hbm>>
      tpu.wait_dma2 semaphore(%arg13 : memref<!tpu.dma_semaphore, #tpu.memory_space<semaphore_mem>>) src(%dma_wait3A_184 : memref<1600x32xf32, #tpu.memory_space<hbm>>) dst(%arg8 : memref<1600x32xf32, #tpu.memory_space<vmem>>)
      %gt3A_185 = arith.constant 0 : i32
      %gt3A_186 = arith.cmpi sgt, %scan3A_36, %gt3A_185 : i32
      %convert_element_type3A_187 = arith.extui %gt3A_186 : i1 to i32
      %cond3A_188 = arith.constant 0 : i32
      %cond3A_189 = arith.cmpi ne, %convert_element_type3A_187, %cond3A_188 : i32
      scf.if %cond3A_189 {
        %dma_wait3A_210 = arith.constant 0 : i32
        %dma_wait3A_211 = arith.constant 0 : i32
        %dma_wait3A_212 = tpu.memref_slice %arg4[%dma_wait3A_210, %dma_wait3A_211] : memref<16384x32xf32, #tpu.memory_space<hbm>> -> memref<32x32xf32, #tpu.memory_space<hbm>>
        %dma_wait3A_213 = arith.constant 0 : i32
        %dma_wait3A_214 = arith.constant 0 : i32
        %dma_wait3A_215 = tpu.memref_slice %arg4[%dma_wait3A_213, %dma_wait3A_214] : memref<16384x32xf32, #tpu.memory_space<hbm>> -> memref<32x32xf32, #tpu.memory_space<hbm>>
        tpu.wait_dma2 semaphore(%arg17 : memref<!tpu.dma_semaphore, #tpu.memory_space<semaphore_mem>>) src(%arg10 : memref<32x32xf32, #tpu.memory_space<vmem>>) dst(%dma_wait3A_215 : memref<32x32xf32, #tpu.memory_space<hbm>>)
      } else {
      }
      %scan3A_190 = arith.constant 0 : i32
      %scan3A_191 = arith.constant 0 : i32
      %scan3A_192 = arith.constant 32 : i32
      %scan3A_193 = arith.addi %scan3A_191, %scan3A_192 : i32
      %scan3A_194 = arith.constant 1 : i32
      %scan3A_195 = scf.for %scan3A_210 = %scan3A_191 to %scan3A_193 step %scan3A_194 iter_args(%scan3A_211 = %scan3A_190) -> (i32)  : i32 {
        %broadcast_in_dim3A_212 = arith.constant 0.000000e+00 : f32
        %broadcast_in_dim3A_213 = vector.broadcast %broadcast_in_dim3A_212 : f32 to vector<16xf32>
        %broadcast_in_dim3A_214 = arith.constant 0.000000e+00 : f32
        %broadcast_in_dim3A_215 = vector.broadcast %broadcast_in_dim3A_214 : f32 to vector<16xf32>
        %scan3A_216 = arith.constant 0 : i32
        %scan3A_217 = arith.constant 50 : i32
        %scan3A_218 = arith.addi %scan3A_216, %scan3A_217 : i32
        %scan3A_219 = arith.constant 10 : i32
        %scan3A_220:2 = scf.for %scan3A_273 = %scan3A_216 to %scan3A_218 step %scan3A_219 iter_args(%scan3A_274 = %broadcast_in_dim3A_213, %scan3A_275 = %broadcast_in_dim3A_215) -> (vector<16xf32>, vector<16xf32>)  : i32 {
          %mul3A_276 = arith.constant 32 : i32
          %mul3A_277 = arith.muli %scan3A_273, %mul3A_276 : i32
          %add3A_278 = arith.addi %mul3A_277, %scan3A_210 : i32
          %get3A_279 = arith.index_cast %add3A_278 : i32 to index
          %get3A_280 = arith.constant 0 : index
          %get3A_281 = tpu.vector_load %arg8[%get3A_279, %get3A_280] {strides = array<i32>} : memref<1600x32xf32, #tpu.memory_space<vmem>>, vector<16xf32>,
          %add3A_282 = arith.addf %scan3A_274, %get3A_281 : vector<16xf32>
          %mul3A_283 = arith.constant 32 : i32
          %mul3A_284 = arith.muli %scan3A_273, %mul3A_283 : i32
          %add3A_285 = arith.addi %mul3A_284, %scan3A_210 : i32
          %get3A_286 = arith.index_cast %add3A_285 : i32 to index
          %get3A_287 = arith.constant 16 : index
          %get3A_288 = tpu.vector_load %arg8[%get3A_286, %get3A_287] {strides = array<i32>} : memref<1600x32xf32, #tpu.memory_space<vmem>>, vector<16xf32>,
          %add3A_289 = arith.addf %scan3A_275, %get3A_288 : vector<16xf32>
          %scan3A_290 = arith.constant 1 : i32
          %scan3A_291 = arith.addi %scan3A_273, %scan3A_290 : i32
          %mul3A_292 = arith.constant 32 : i32
          %mul3A_293 = arith.muli %scan3A_291, %mul3A_292 : i32
          %add3A_294 = arith.addi %mul3A_293, %scan3A_210 : i32
          %get3A_295 = arith.index_cast %add3A_294 : i32 to index
          %get3A_296 = arith.constant 0 : index
          %get3A_297 = tpu.vector_load %arg8[%get3A_295, %get3A_296] {strides = array<i32>} : memref<1600x32xf32, #tpu.memory_space<vmem>>, vector<16xf32>,
          %add3A_298 = arith.addf %add3A_282, %get3A_297 : vector<16xf32>
          %mul3A_299 = arith.constant 32 : i32
          %mul3A_300 = arith.muli %scan3A_291, %mul3A_299 : i32
          %add3A_301 = arith.addi %mul3A_300, %scan3A_210 : i32
          %get3A_302 = arith.index_cast %add3A_301 : i32 to index
          %get3A_303 = arith.constant 16 : index
          %get3A_304 = tpu.vector_load %arg8[%get3A_302, %get3A_303] {strides = array<i32>} : memref<1600x32xf32, #tpu.memory_space<vmem>>, vector<16xf32>,
          %add3A_305 = arith.addf %add3A_289, %get3A_304 : vector<16xf32>
          %scan3A_306 = arith.constant 2 : i32
          %scan3A_307 = arith.addi %scan3A_273, %scan3A_306 : i32
          %mul3A_308 = arith.constant 32 : i32
          %mul3A_309 = arith.muli %scan3A_307, %mul3A_308 : i32
          %add3A_310 = arith.addi %mul3A_309, %scan3A_210 : i32
          %get3A_311 = arith.index_cast %add3A_310 : i32 to index
          %get3A_312 = arith.constant 0 : index
          %get3A_313 = tpu.vector_load %arg8[%get3A_311, %get3A_312] {strides = array<i32>} : memref<1600x32xf32, #tpu.memory_space<vmem>>, vector<16xf32>,
          %add3A_314 = arith.addf %add3A_298, %get3A_313 : vector<16xf32>
          %mul3A_315 = arith.constant 32 : i32
          %mul3A_316 = arith.muli %scan3A_307, %mul3A_315 : i32
          %add3A_317 = arith.addi %mul3A_316, %scan3A_210 : i32
          %get3A_318 = arith.index_cast %add3A_317 : i32 to index
          %get3A_319 = arith.constant 16 : index
          %get3A_320 = tpu.vector_load %arg8[%get3A_318, %get3A_319] {strides = array<i32>} : memref<1600x32xf32, #tpu.memory_space<vmem>>, vector<16xf32>,
          %add3A_321 = arith.addf %add3A_305, %get3A_320 : vector<16xf32>
          %scan3A_322 = arith.constant 3 : i32
          %scan3A_323 = arith.addi %scan3A_273, %scan3A_322 : i32
          %mul3A_324 = arith.constant 32 : i32
          %mul3A_325 = arith.muli %scan3A_323, %mul3A_324 : i32
          %add3A_326 = arith.addi %mul3A_325, %scan3A_210 : i32
          %get3A_327 = arith.index_cast %add3A_326 : i32 to index
          %get3A_328 = arith.constant 0 : index
          %get3A_329 = tpu.vector_load %arg8[%get3A_327, %get3A_328] {strides = array<i32>} : memref<1600x32xf32, #tpu.memory_space<vmem>>, vector<16xf32>,
          %add3A_330 = arith.addf %add3A_314, %get3A_329 : vector<16xf32>
          %mul3A_331 = arith.constant 32 : i32
          %mul3A_332 = arith.muli %scan3A_323, %mul3A_331 : i32
          %add3A_333 = arith.addi %mul3A_332, %scan3A_210 : i32
          %get3A_334 = arith.index_cast %add3A_333 : i32 to index
          %get3A_335 = arith.constant 16 : index
          %get3A_336 = tpu.vector_load %arg8[%get3A_334, %get3A_335] {strides = array<i32>} : memref<1600x32xf32, #tpu.memory_space<vmem>>, vector<16xf32>,
          %add3A_337 = arith.addf %add3A_321, %get3A_336 : vector<16xf32>
          %scan3A_338 = arith.constant 4 : i32
          %scan3A_339 = arith.addi %scan3A_273, %scan3A_338 : i32
          %mul3A_340 = arith.constant 32 : i32
          %mul3A_341 = arith.muli %scan3A_339, %mul3A_340 : i32
          %add3A_342 = arith.addi %mul3A_341, %scan3A_210 : i32
          %get3A_343 = arith.index_cast %add3A_342 : i32 to index
          %get3A_344 = arith.constant 0 : index
          %get3A_345 = tpu.vector_load %arg8[%get3A_343, %get3A_344] {strides = array<i32>} : memref<1600x32xf32, #tpu.memory_space<vmem>>, vector<16xf32>,
          %add3A_346 = arith.addf %add3A_330, %get3A_345 : vector<16xf32>
          %mul3A_347 = arith.constant 32 : i32
          %mul3A_348 = arith.muli %scan3A_339, %mul3A_347 : i32
          %add3A_349 = arith.addi %mul3A_348, %scan3A_210 : i32
          %get3A_350 = arith.index_cast %add3A_349 : i32 to index
          %get3A_351 = arith.constant 16 : index
          %get3A_352 = tpu.vector_load %arg8[%get3A_350, %get3A_351] {strides = array<i32>} : memref<1600x32xf32, #tpu.memory_space<vmem>>, vector<16xf32>,
          %add3A_353 = arith.addf %add3A_337, %get3A_352 : vector<16xf32>
          %scan3A_354 = arith.constant 5 : i32
          %scan3A_355 = arith.addi %scan3A_273, %scan3A_354 : i32
          %mul3A_356 = arith.constant 32 : i32
          %mul3A_357 = arith.muli %scan3A_355, %mul3A_356 : i32
          %add3A_358 = arith.addi %mul3A_357, %scan3A_210 : i32
          %get3A_359 = arith.index_cast %add3A_358 : i32 to index
          %get3A_360 = arith.constant 0 : index
          %get3A_361 = tpu.vector_load %arg8[%get3A_359, %get3A_360] {strides = array<i32>} : memref<1600x32xf32, #tpu.memory_space<vmem>>, vector<16xf32>,
          %add3A_362 = arith.addf %add3A_346, %get3A_361 : vector<16xf32>
          %mul3A_363 = arith.constant 32 : i32
          %mul3A_364 = arith.muli %scan3A_355, %mul3A_363 : i32
          %add3A_365 = arith.addi %mul3A_364, %scan3A_210 : i32
          %get3A_366 = arith.index_cast %add3A_365 : i32 to index
          %get3A_367 = arith.constant 16 : index
          %get3A_368 = tpu.vector_load %arg8[%get3A_366, %get3A_367] {strides = array<i32>} : memref<1600x32xf32, #tpu.memory_space<vmem>>, vector<16xf32>,
          %add3A_369 = arith.addf %add3A_353, %get3A_368 : vector<16xf32>
          %scan3A_370 = arith.constant 6 : i32
          %scan3A_371 = arith.addi %scan3A_273, %scan3A_370 : i32
          %mul3A_372 = arith.constant 32 : i32
          %mul3A_373 = arith.muli %scan3A_371, %mul3A_372 : i32
          %add3A_374 = arith.addi %mul3A_373, %scan3A_210 : i32
          %get3A_375 = arith.index_cast %add3A_374 : i32 to index
          %get3A_376 = arith.constant 0 : index
          %get3A_377 = tpu.vector_load %arg8[%get3A_375, %get3A_376] {strides = array<i32>} : memref<1600x32xf32, #tpu.memory_space<vmem>>, vector<16xf32>,
          %add3A_378 = arith.addf %add3A_362, %get3A_377 : vector<16xf32>
          %mul3A_379 = arith.constant 32 : i32
          %mul3A_380 = arith.muli %scan3A_371, %mul3A_379 : i32
          %add3A_381 = arith.addi %mul3A_380, %scan3A_210 : i32
          %get3A_382 = arith.index_cast %add3A_381 : i32 to index
          %get3A_383 = arith.constant 16 : index
          %get3A_384 = tpu.vector_load %arg8[%get3A_382, %get3A_383] {strides = array<i32>} : memref<1600x32xf32, #tpu.memory_space<vmem>>, vector<16xf32>,
          %add3A_385 = arith.addf %add3A_369, %get3A_384 : vector<16xf32>
          %scan3A_386 = arith.constant 7 : i32
          %scan3A_387 = arith.addi %scan3A_273, %scan3A_386 : i32
          %mul3A_388 = arith.constant 32 : i32
          %mul3A_389 = arith.muli %scan3A_387, %mul3A_388 : i32
          %add3A_390 = arith.addi %mul3A_389, %scan3A_210 : i32
          %get3A_391 = arith.index_cast %add3A_390 : i32 to index
          %get3A_392 = arith.constant 0 : index
          %get3A_393 = tpu.vector_load %arg8[%get3A_391, %get3A_392] {strides = array<i32>} : memref<1600x32xf32, #tpu.memory_space<vmem>>, vector<16xf32>,
          %add3A_394 = arith.addf %add3A_378, %get3A_393 : vector<16xf32>
          %mul3A_395 = arith.constant 32 : i32
          %mul3A_396 = arith.muli %scan3A_387, %mul3A_395 : i32
          %add3A_397 = arith.addi %mul3A_396, %scan3A_210 : i32
          %get3A_398 = arith.index_cast %add3A_397 : i32 to index
          %get3A_399 = arith.constant 16 : index
          %get3A_400 = tpu.vector_load %arg8[%get3A_398, %get3A_399] {strides = array<i32>} : memref<1600x32xf32, #tpu.memory_space<vmem>>, vector<16xf32>,
          %add3A_401 = arith.addf %add3A_385, %get3A_400 : vector<16xf32>
          %scan3A_402 = arith.constant 8 : i32
          %scan3A_403 = arith.addi %scan3A_273, %scan3A_402 : i32
          %mul3A_404 = arith.constant 32 : i32
          %mul3A_405 = arith.muli %scan3A_403, %mul3A_404 : i32
          %add3A_406 = arith.addi %mul3A_405, %scan3A_210 : i32
          %get3A_407 = arith.index_cast %add3A_406 : i32 to index
          %get3A_408 = arith.constant 0 : index
          %get3A_409 = tpu.vector_load %arg8[%get3A_407, %get3A_408] {strides = array<i32>} : memref<1600x32xf32, #tpu.memory_space<vmem>>, vector<16xf32>,
          %add3A_410 = arith.addf %add3A_394, %get3A_409 : vector<16xf32>
          %mul3A_411 = arith.constant 32 : i32
          %mul3A_412 = arith.muli %scan3A_403, %mul3A_411 : i32
          %add3A_413 = arith.addi %mul3A_412, %scan3A_210 : i32
          %get3A_414 = arith.index_cast %add3A_413 : i32 to index
          %get3A_415 = arith.constant 16 : index
          %get3A_416 = tpu.vector_load %arg8[%get3A_414, %get3A_415] {strides = array<i32>} : memref<1600x32xf32, #tpu.memory_space<vmem>>, vector<16xf32>,
          %add3A_417 = arith.addf %add3A_401, %get3A_416 : vector<16xf32>
          %scan3A_418 = arith.constant 9 : i32
          %scan3A_419 = arith.addi %scan3A_273, %scan3A_418 : i32
          %mul3A_420 = arith.constant 32 : i32
          %mul3A_421 = arith.muli %scan3A_419, %mul3A_420 : i32
          %add3A_422 = arith.addi %mul3A_421, %scan3A_210 : i32
          %get3A_423 = arith.index_cast %add3A_422 : i32 to index
          %get3A_424 = arith.constant 0 : index
          %get3A_425 = tpu.vector_load %arg8[%get3A_423, %get3A_424] {strides = array<i32>} : memref<1600x32xf32, #tpu.memory_space<vmem>>, vector<16xf32>,
          %add3A_426 = arith.addf %add3A_410, %get3A_425 : vector<16xf32>
          %mul3A_427 = arith.constant 32 : i32
          %mul3A_428 = arith.muli %scan3A_419, %mul3A_427 : i32
          %add3A_429 = arith.addi %mul3A_428, %scan3A_210 : i32
          %get3A_430 = arith.index_cast %add3A_429 : i32 to index
          %get3A_431 = arith.constant 16 : index
          %get3A_432 = tpu.vector_load %arg8[%get3A_430, %get3A_431] {strides = array<i32>} : memref<1600x32xf32, #tpu.memory_space<vmem>>, vector<16xf32>,
          %add3A_433 = arith.addf %add3A_417, %get3A_432 : vector<16xf32>
          scf.yield %add3A_426, %add3A_433 : vector<16xf32>, vector<16xf32>
        }
        %scan3A_221 = arith.constant 50 : i32
        %jit3A_222 = arith.constant 16 : i32
        %div3A_223 = arith.divsi %scan3A_210, %jit3A_222 : i32
        %sign3A = arith.constant 0 : i32
        %sign3A_224 = arith.cmpi sgt, %scan3A_210, %sign3A : i32
        %sign3A_225 = arith.extui %sign3A_224 : i1 to i32
        %sign3A_226 = arith.constant 0 : i32
        %sign3A_227 = arith.cmpi slt, %scan3A_210, %sign3A_226 : i32
        %sign3A_228 = arith.extui %sign3A_227 : i1 to i32
        %sign3A_229 = arith.subi %sign3A_225, %sign3A_228 : i32
        %sign3A_230 = arith.constant 0 : i32
        %sign3A_231 = arith.cmpi sgt, %jit3A_222, %sign3A_230 : i32
        %sign3A_232 = arith.extui %sign3A_231 : i1 to i32
        %sign3A_233 = arith.constant 0 : i32
        %sign3A_234 = arith.cmpi slt, %jit3A_222, %sign3A_233 : i32
        %sign3A_235 = arith.extui %sign3A_234 : i1 to i32
        %sign3A_236 = arith.subi %sign3A_232, %sign3A_235 : i32
        %ne3A = arith.cmpi ne, %sign3A_229, %sign3A_236 : i32
        %rem3A = arith.remsi %scan3A_210, %jit3A_222 : i32
        %ne3A_237 = arith.constant 0 : i32
        %ne3A_238 = arith.cmpi ne, %rem3A, %ne3A_237 : i32
        %and3A = arith.andi %ne3A, %ne3A_238 : i1
        %sub3A_239 = arith.constant 1 : i32
        %sub3A_240 = arith.subi %div3A_223, %sub3A_239 : i32
        %select_n3A_241 = arith.select %and3A, %sub3A_240, %div3A_223 : i32
        %mul3A_242 = arith.constant 16 : i32
        %mul3A_243 = arith.muli %select_n3A_241, %mul3A_242 : i32
        %sub3A_244 = arith.subi %scan3A_210, %mul3A_243 : i32
        %broadcast_in_dim3A_245 = vector.broadcast %sub3A_244 : i32 to vector<16xi32>
        %broadcast_in_dim3A_246 = vector.broadcast %select_n3A_241 : i32 to vector<16xi32>
        %eq3A_247 = arith.constant 0 : i32
        %eq3A_248 = vector.broadcast %eq3A_247 : i32 to vector<16xi32>
        %eq3A_249 = arith.cmpi eq, %broadcast_in_dim3A_246, %eq3A_248 : vector<16xi32>
        %select_n3A_250 = arith.select %eq3A_249, %scan3A_133, %scan3A_159 : vector<16xi1>, vector<16xf32>
        %broadcast_in_dim3A_251 = vector.broadcast %select_n3A_241 : i32 to vector<16xi32>
        %eq3A_252 = arith.constant 0 : i32
        %eq3A_253 = vector.broadcast %eq3A_252 : i32 to vector<16xi32>
        %eq3A_254 = arith.cmpi eq, %broadcast_in_dim3A_251, %eq3A_253 : vector<16xi32>
        %select_n3A_255 = arith.select %eq3A_254, %select_n3A_152, %select_n3A_178 : vector<16xi1>, vector<16xf32>
        %broadcast_in_dim3A_256 = vector.shape_cast %broadcast_in_dim3A_245 : vector<16xi32> to vector<16x1xi32>
        %gather3A = vector.shape_cast %broadcast_in_dim3A_256 : vector<16x1xi32> to vector<16xi32>
        %gather3A_257 = tpu.dynamic_gather %select_n3A_250[%gather3A] in [0] : vector<16xf32>, vector<16xi32> -> vector<16xf32>
        %broadcast_in_dim3A_258 = vector.shape_cast %broadcast_in_dim3A_245 : vector<16xi32> to vector<16x1xi32>
        %gather3A_259 = vector.shape_cast %broadcast_in_dim3A_258 : vector<16x1xi32> to vector<16xi32>
        %gather3A_260 = tpu.dynamic_gather %select_n3A_255[%gather3A_259] in [0] : vector<16xf32>, vector<16xi32> -> vector<16xf32>
        %mul3A_261 = arith.mulf %gather3A_257, %get3A_5 : vector<16xf32>
        %sub3A_262 = arith.subf %scan3A_220#0, %mul3A_261 : vector<16xf32>
        %mul3A_263 = arith.mulf %sub3A_262, %gather3A_260 : vector<16xf32>
        %swap3A = arith.index_cast %scan3A_210 : i32 to index
        %swap3A_264 = arith.constant 0 : index
        %swap3A_265 = tpu.vector_load %arg10[%swap3A, %swap3A_264] {strides = array<i32>} : memref<32x32xf32, #tpu.memory_space<vmem>>, vector<16xf32>,
        tpu.vector_store %arg10[%swap3A, %swap3A_264], %mul3A_263 {strides = array<i32>} : memref<32x32xf32, #tpu.memory_space<vmem>>, vector<16xf32>,
        %mul3A_266 = arith.mulf %gather3A_257, %get3A_9 : vector<16xf32>
        %sub3A_267 = arith.subf %scan3A_220#1, %mul3A_266 : vector<16xf32>
        %mul3A_268 = arith.mulf %sub3A_267, %gather3A_260 : vector<16xf32>
        %swap3A_269 = arith.index_cast %scan3A_210 : i32 to index
        %swap3A_270 = arith.constant 16 : index
        %swap3A_271 = tpu.vector_load %arg10[%swap3A_269, %swap3A_270] {strides = array<i32>} : memref<32x32xf32, #tpu.memory_space<vmem>>, vector<16xf32>,
        tpu.vector_store %arg10[%swap3A_269, %swap3A_270], %mul3A_268 {strides = array<i32>} : memref<32x32xf32, #tpu.memory_space<vmem>>, vector<16xf32>,
        %scan3A_272 = arith.constant 0 : i32
        scf.yield %scan3A_272 : i32
      }
      %scan3A_196 = arith.constant 32 : i32
      %mul3A_197 = arith.constant 32 : i32
      %mul3A_198 = arith.muli %add3A_43, %mul3A_197 : i32
      %add3A_199 = arith.addi %mul3A_2, %mul3A_198 : i32
      %dma_start3A_200 = arith.constant 0 : i32
      %dma_start3A_201 = tpu.memref_slice %arg4[%add3A_199, %dma_start3A_200] : memref<16384x32xf32, #tpu.memory_space<hbm>> -> memref<32x32xf32, #tpu.memory_space<hbm>>
      %dma_start3A_202 = arith.constant 0 : i32
      %dma_start3A_203 = tpu.memref_slice %arg4[%add3A_199, %dma_start3A_202] : memref<16384x32xf32, #tpu.memory_space<hbm>> -> memref<32x32xf32, #tpu.memory_space<hbm>>
      tpu.enqueue_dma source(%arg10 : memref<32x32xf32, #tpu.memory_space<vmem>>) target(%dma_start3A_203 : memref<32x32xf32, #tpu.memory_space<hbm>>) target_semaphore(%arg17 : memref<!tpu.dma_semaphore, #tpu.memory_space<semaphore_mem>>)
      %lt3A_204 = arith.constant 7 : i32
      %lt3A_205 = arith.cmpi slt, %scan3A_36, %lt3A_204 : i32
      %convert_element_type3A_206 = arith.extui %lt3A_205 : i1 to i32
      %cond3A_207 = arith.constant 0 : i32
      %cond3A_208 = arith.cmpi ne, %convert_element_type3A_206, %cond3A_207 : i32
      scf.if %cond3A_208 {
        %add3A_210 = arith.constant 2 : i32
        %add3A_211 = arith.addi %add3A_43, %add3A_210 : i32
        %mul3A_212 = arith.constant 32 : i32
        %mul3A_213 = arith.muli %add3A_211, %mul3A_212 : i32
        %add3A_214 = arith.addi %mul3A_2, %mul3A_213 : i32
        %dma_start3A_215 = arith.constant 0 : i32
        %dma_start3A_216 = tpu.memref_slice %arg2[%dma_start3A_215, %add3A_214] : memref<50x16384xi32, #tpu.memory_space<hbm>> -> memref<50x32xi32, #tpu.memory_space<hbm>>
        %dma_start3A_217 = arith.constant 0 : i32
        %dma_start3A_218 = tpu.memref_slice %arg2[%dma_start3A_217, %add3A_214] : memref<50x16384xi32, #tpu.memory_space<hbm>> -> memref<50x32xi32, #tpu.memory_space<hbm>>
        tpu.enqueue_dma source(%dma_start3A_218 : memref<50x32xi32, #tpu.memory_space<hbm>>) target(%arg6 : memref<50x32xi32, #tpu.memory_space<vmem>>) target_semaphore(%arg15 : memref<!tpu.dma_semaphore, #tpu.memory_space<semaphore_mem>>)
      } else {
      }
      %scan3A_209 = arith.constant 0 : i32
      scf.yield %scan3A_209 : i32
    }
    %scan3A_24 = arith.constant 8 : i32
    %dma_wait3A = arith.constant 0 : i32
    %dma_wait3A_25 = arith.constant 0 : i32
    %dma_wait3A_26 = tpu.memref_slice %arg4[%dma_wait3A, %dma_wait3A_25] : memref<16384x32xf32, #tpu.memory_space<hbm>> -> memref<32x32xf32, #tpu.memory_space<hbm>>
    %dma_wait3A_27 = arith.constant 0 : i32
    %dma_wait3A_28 = arith.constant 0 : i32
    %dma_wait3A_29 = tpu.memref_slice %arg4[%dma_wait3A_27, %dma_wait3A_28] : memref<16384x32xf32, #tpu.memory_space<hbm>> -> memref<32x32xf32, #tpu.memory_space<hbm>>
    tpu.wait_dma2 semaphore(%arg16 : memref<!tpu.dma_semaphore, #tpu.memory_space<semaphore_mem>>) src(%arg9 : memref<32x32xf32, #tpu.memory_space<vmem>>) dst(%dma_wait3A_29 : memref<32x32xf32, #tpu.memory_space<hbm>>)
    %dma_wait3A_30 = arith.constant 0 : i32
    %dma_wait3A_31 = arith.constant 0 : i32
    %dma_wait3A_32 = tpu.memref_slice %arg4[%dma_wait3A_30, %dma_wait3A_31] : memref<16384x32xf32, #tpu.memory_space<hbm>> -> memref<32x32xf32, #tpu.memory_space<hbm>>
    %dma_wait3A_33 = arith.constant 0 : i32
    %dma_wait3A_34 = arith.constant 0 : i32
    %dma_wait3A_35 = tpu.memref_slice %arg4[%dma_wait3A_33, %dma_wait3A_34] : memref<16384x32xf32, #tpu.memory_space<hbm>> -> memref<32x32xf32, #tpu.memory_space<hbm>>
    tpu.wait_dma2 semaphore(%arg17 : memref<!tpu.dma_semaphore, #tpu.memory_space<semaphore_mem>>) src(%arg10 : memref<32x32xf32, #tpu.memory_space<vmem>>) dst(%dma_wait3A_35 : memref<32x32xf32, #tpu.memory_space<hbm>>)
    return
  }
}

</mosaic_0001>

<sc_bundles>
// kernel: kernel.3.cloned.1.call-start
scs
__scs_entry_jumppad:
0x0: {  	(pc) =	sbr.rel $0x88, $3  }
0x1: {  	(tag) =	ssettag $0x0;
	lr =	simm.s32 $0x1  }
0x2: {  	[smem:$0x3F9F] =	sst lr;
	_ =	strace $0xD0000000  }
0x3: {  	_ = 	snop  }
0x4: {  	_ = 	snop  }
0x5: {  	_ = 	snop  }
0x6: {  	_ = 	snop  }
0x7: {  	_ = 	snop  }
__scs_overlays_trampoline_lowered:
0x8: {  	[smem:$0x3FAE] =	sst s0  }
0x9: {  	[smem:$0x3FAF] =	sst s1  }
0xa: {  	[smem:$0x3FB0] =	sst s2  }
0xb: {  	[smem:$0x3FB1] =	sst s3  }
0xc: {  	[smem:$0x3FB2] =	sst s4  }
0xd: {  	[smem:$0x3FB3] =	sst s5  }
0xe: {  	[smem:$0x3FB4] =	sst s6  }
0xf: {  	[smem:$0x3FB5] =	sst s7  }
0x10: {  	[smem:$0x3FB6] =	sst s8  }
0x11: {  	[smem:$0x3FB7] =	sst s9;
	s0 =	simm.s32 @!p0 $0x0  }
0x12: {  	s1 =	sld [smem:$0x3F9D];
	s0 =	simm.s32 @p0 $0x1  }
0x13: {  	[smem:$0x3FB8] =	sst s0;
	s0 =	simm.s32 @!p1 $0x0  }
0x14: {  	s2 =	sld [smem:$0x3F9C];
	s0 =	simm.s32 @p1 $0x1  }
0x15: {  	[smem:$0x3FB9] =	sst s0;
	s0 =	simm.s32 @!p2 $0x0  }
0x16: {  	s3 =	sld [smem:$0x3FDB];
	s0 =	simm.s32 @p2 $0x1  }
0x17: {  	s4 =	simm.s32 $0x1BF5;
	[smem:$0x3FBB] =	sst s0  }
0x18: {  	s0 =	sld [smem:$0x3F9E];
	_ =	swait.ge [sflag:s4], $0x0  }
0x19: {  	s7 =	sld [smem:$0x3F9F]  }
0x1a: {  	s8 =	sadd.s32 $0xFFFFE003, lr  }
0x1b: {  	s9 =	sadd.s32 $0xFFFFFEF7, lr;
	s5 =	simm.s32 $0xFFFFFFFF;
	p2 =	slt.u32 s8, $0xFFFFF086  }
0x1c: {  	p1 =	slt.u32 s9, $0xF7A;
	s5 =	simm.s32 @!p2 $0x0  }
0x1d: {  	s5 =	simm.s32 @p1 $0x1;
	p0 =	seq.s32 s7, s2  }
0x1e: {  	s7 =	smul.u32 @!p0 $0xF7A, s2;
	p2 =	seq.s32 @!p0 s5, $0x0  }
0x1f: {  	s9 =	smul.u32 $0xF7A, s1;
	s8 =	simm.s32 @!p0 $0x1BF5;
	p2 =	por !p2, p0  }
0x20: {  	[sflag:s8] =	ssyncset.s32 @!p0 $0xFFFFF086;
	s6 =	sadd.s32 @!p0 s3, s7;
	s7 =	simm.s32 @!p0 $0x108  }
0x21: {  	s3 =	sadd.s32 s3, s9;
	s6 =	sadd.s32 @!p0 $0x88, s6;
	s7 =	simm.s32 @p2 $0x1082  }
0x22: {  	[simem:s7], [sflag:s8] =	dma.local @!p0 [hbm:s6], $0xF7A  }
0x23: {  	s9 =	sor.u32 $0xD0000000, s2;
	s6 =	simm.s32 $0x108;
	_ =	swait.ge @!p0 [sflag:s8], $0x0  }
0x24: {  	s3 =	sadd.s32 $0x88, s3;
	s6 =	simm.s32 @!p1 $0x1082;
	[sflag:s4] =	ssyncset.s32 $0xFFFFF086  }
0x25: {  	[simem:s6], [sflag:s4] =	dma.local [hbm:s3], $0xF7A  }
0x26: {  	[smem:$0x3F9F] =	sst s1;
	(tag) =	ssettag s2;
	_ =	strace s9  }
0x27: {  	s1 =	sld [smem:$0x3FAF]  }
0x28: {  	s2 =	sld [smem:$0x3FB0]  }
0x29: {  	s4 =	sld [smem:$0x3FB2]  }
0x2a: {  	p0 =	seq.s32 s5, $0x0;
	s5 =	sld [smem:$0x3FB3]  }
0x2b: {  	s6 =	sld [smem:$0x3FB4]  }
0x2c: {  	s7 =	sld [smem:$0x3FB5]  }
0x2d: {  	s3 =	simm.s32 $0x108;
	s8 =	sld [smem:$0x3FB6]  }
0x2e: {  	s3 =	simm.s32 @!p0 $0x1082;
	s9 =	sld [smem:$0x3FB7]  }
0x2f: {  	lr =	sadd.s32 s0, s3;
	s0 =	sld [smem:$0x3FAE]  }
0x30: {  	s3 =	sld [smem:$0x3FB1]  }
0x31: {  	[smem:$0x3FBA] =	sst s10  }
0x32: {  	s10 =	sld [smem:$0x3FB8];
	_ =	sdelay $0x3  }
0x33: {  	p0 =	seq.s32 s10, $0x1;
	s10 =	sld [smem:$0x3FBA];
	_ =	sdelay $0x3  }
0x34: {  	[smem:$0x3FBA] =	sst s10  }
0x35: {  	s10 =	sld [smem:$0x3FB9];
	_ =	sdelay $0x3  }
0x36: {  	p1 =	seq.s32 s10, $0x1;
	s10 =	sld [smem:$0x3FBA];
	_ =	sdelay $0x3  }
0x37: {  	[smem:$0x3FBA] =	sst s10  }
0x38: {  	s10 =	sld [smem:$0x3FBB]  }
0x39: {  	_ = 	snop;
	(pc) =	sbr.ind lr, $3  }
0x3a: {  	_ = 	snop  }
0x3b: {  	_ = 	snop  }
0x3c: {  	p2 =	seq.s32 s10, $0x1;
	s10 =	sld [smem:$0x3FBA]  }
0x3d: {  	_ =	shalt  }
0x3e: {  	_ =	shalt  }
0x3f: {  	_ =	shalt  }
0x40: {  	_ =	shalt  }
0x41: {  	_ =	shalt  }
0x42: {  	_ =	shalt  }
0x43: {  	_ =	shalt  }
0x44: {  	_ =	shalt  }
0x45: {  	_ =	shalt  }
0x46: {  	_ =	shalt  }
0x47: {  	_ =	shalt  }
0x48: {  	_ =	shalt  }
0x49: {  	_ =	shalt  }
0x4a: {  	_ =	shalt  }
0x4b: {  	_ =	shalt  }
0x4c: {  	_ =	shalt  }
0x4d: {  	_ =	shalt  }
0x4e: {  	_ =	shalt  }
0x4f: {  	_ =	shalt  }
0x50: {  	_ =	shalt  }
0x51: {  	_ =	shalt  }
0x52: {  	_ =	shalt  }
0x53: {  	_ =	shalt  }
0x54: {  	_ =	shalt  }
0x55: {  	_ =	shalt  }
0x56: {  	_ =	shalt  }
0x57: {  	_ =	shalt  }
0x58: {  	_ =	shalt  }
0x59: {  	_ =	shalt  }
0x5a: {  	_ =	shalt  }
0x5b: {  	_ =	shalt  }
0x5c: {  	_ =	shalt  }
0x5d: {  	_ =	shalt  }
0x5e: {  	_ =	shalt  }
0x5f: {  	_ =	shalt  }
0x60: {  	_ =	shalt  }
0x61: {  	_ =	shalt  }
0x62: {  	_ =	shalt  }
0x63: {  	_ =	shalt  }
0x64: {  	_ =	shalt  }
0x65: {  	_ =	shalt  }
0x66: {  	_ =	shalt  }
0x67: {  	_ =	shalt  }
0x68: {  	_ =	shalt  }
0x69: {  	_ =	shalt  }
0x6a: {  	_ =	shalt  }
0x6b: {  	_ =	shalt  }
0x6c: {  	_ =	shalt  }
0x6d: {  	_ =	shalt  }
0x6e: {  	_ =	shalt  }
0x6f: {  	_ =	shalt  }
0x70: {  	_ =	shalt  }
0x71: {  	_ =	shalt  }
0x72: {  	_ =	shalt  }
0x73: {  	_ =	shalt  }
0x74: {  	_ =	shalt  }
0x75: {  	_ =	shalt  }
0x76: {  	_ =	shalt  }
0x77: {  	_ =	shalt  }
0x78: {  	_ =	shalt  }
0x79: {  	_ =	shalt  }
0x7a: {  	_ =	shalt  }
0x7b: {  	_ =	shalt  }
0x7c: {  	_ =	shalt  }
0x7d: {  	_ =	shalt  }
0x7e: {  	_ =	shalt  }
0x7f: {  	_ =	shalt  }
0x80: {  	_ =	shalt  }
0x81: {  	_ =	shalt  }
0x82: {  	_ =	shalt  }
0x83: {  	_ =	shalt  }
0x84: {  	_ =	shalt  }
0x85: {  	_ =	shalt  }
0x86: {  	_ =	shalt  }
0x87: {  	_ =	shalt  }
.Lfunc_end0:
.L_simem_size_0:
called_computation_lowered:
.L_overlay_start_0:
0x88: {  	s2 =	sld [smem:$0x3FD9]  }
0x89: {  	s3 =	sld [smem:$0x3FFE];
	_ =	sdelay $0x1  }
0x8a: {  	s1 =	srdreg.scid  }
0x8b: {  	s0 =	sand.u32 $0x1, s1  }
0x8c: {  	s17 =	sshll.u32 s0, $0xA;
	s2 =	sadd.s32 s3, s2  }
0x8d: {  	s2 =	sadd.s32 s2, s17  }
0x8e: {  	[smem:$0x3FC6] =	sst s2  }
0x8f: {  	_ = 	snop  }
0x90: {  	s2 =	sld [smem:$0x3FD0];
	(tm) =	ssettm $0x1  }
0x91: {  	s18 =	sld [smem:$0x3FFB];
	_ =	sdelay $0x3  }
0x92: {  	_ =	strace s18  }
0x93: {  	s3 =	sld [smem:$0x3FFC];
	_ =	sdelay $0x3  }
0x94: {  	_ =	strace s3  }
0x95: {  	s3 =	sld [smem:$0x3FFD];
	_ =	sdelay $0x3  }
0x96: {  	_ =	strace s3  }
0x97: {  	_ =	strace $0x8FFFFFFF  }
0x98: {  	s19 =	sld [smem:$0x3FDB];
	_ =	sdelay $0x1  }
0x99: {  	s4 =	simm.s32 $_scs_section_size  }
0x9a: {  	s5 =	simm.s32 $_size__tile_overlayer_lowered;
	s6 =	simm.s32 $_tile_overlayer_lowered  }
0x9b: {  	s22 =	simm.s32 $0x1BFF;
	s21 =	sshll.u32 s6, $0x1;
	s3 =	sadd.s32 s4, s19  }
0x9c: {  	s7 =	simm.s32 $0x0;
	s20 =	sshll.u32 s5, $0x1;
	s5 =	sadd.s32 s21, s3  }
0x9d: {  	[timem:s7], [sflag:s22] =	dma.local [hbm:s5], s20  }
0x9e: {  	_ =	swait.ge [sflag:s22], s20  }
0x9f: {  	s4 =	ssub.s32 $0x0, s20;
	[sflag:s22] =	ssyncset.done $0x0  }
0xa0: {  	[sflag:s22] =	ssyncadd.s32 s4;
	_ =	sdelay $0x1  }
0xa1: {  	s23 =	simm.s32 $0x1B8B  }
0xa2: {  	_ =	swait.ge [sflag:s23], $0x1  }
0xa3: {  	[sflag:s23] =	ssyncset.done $0x0  }
0xa4: {  	s25 =	simm.s32 $0x1B8E;
	s24 =	sld [smem:$0x3FFE];
	[sflag:s23] =	ssyncadd.s32 $0xFFFFFFFF  }
0xa5: {  	s26 =	simm.s32 $execute0_lowered;
	[smem:$0x3FD2] =	sst s25  }
0xa6: {  	s5 =	sshll.u32 s26, $0x1;
	_ =	strace $0x80000046;
	[dreg:$0x1] =	wrdreg $0xFFFFFFFF  }
0xa7: {  	s28 =	simm.s32 $_size_execute0_lowered;
	s3 =	sadd.s32 s3, s5;
	[dreg:$0x0] =	wrdreg $0x0  }
0xa8: {  	s5 =	sshll.u32 s28, $0x1;
	[dreg:$0x2] =	wrdreg s3  }
0xa9: {  	[dreg:$0x3] =	wrdreg s5  }
0xaa: {  	[dreg:$0x4] =	wrdreg $0xC0  }
0xab: {  	_ =	task [dreg:s7], $0x5FFFF  }
0xac: {  	[dreg:$0x1] =	wrdreg $0xFFFFFFFF  }
0xad: {  	[dreg:$0x0] =	wrdreg $0x60  }
0xae: {  	[dreg:$0x2] =	wrdreg s24  }
0xaf: {  	[dreg:$0x3] =	wrdreg s2  }
0xb0: {  	[dreg:$0x4] =	wrdreg $0x9  }
0xb1: {  	_ =	task.clear_ibuf [dreg:s7], $0x5FFFF;
	_ =	strace $0x90000046  }
0xb2: {  	s29 =	simm.s32 $0x9;
	_ =	strace $0x80000048  }
0xb3: {  	_ =	swait.ge [sflag:s29], $0x1  }
0xb4: {  	[sflag:s29] =	ssyncadd.s32 $0xFFFFFFFF  }
0xb5: {  	_ =	strace $0x90000048  }
0xb6: {  	_ =	sfence  }
0xb7: {  	s30 =	sld [smem:$0x0];
	_ =	sdelay $0x2  }
0xb8: {  	s31 =	sshll.u32 s1, $0xD;
	s1 =	sshrl.u32 s1, $0x2  }
0xb9: {  	s3 =	sand.u32 $0x4000, s31;
	s1 =	sadd.s32 s1, s30  }
0xba: {  	s0 =	sor.u32 s3, s0;
	s1 =	sshll.u32 s1, $0x11  }
0xbb: {  	s0 =	sor.u32 s1, s0  }
0xbc: {  	s0 =	sadd.s32 $0x8F2B, s0  }
0xbd: {  	[sflag:s0] =	ssyncadd.remote.s32 $0x1  }
0xbe: {  	_ =	sfence.sel $0xFFFF  }
0xbf: {  	[dreg:$0x0] =	wrdreg $0xFFFFFFFF;
	(pc) =	sbr.abs _section_cstart, $3  }
0xc0: {  	[dreg:$0x1] =	wrdreg $0xFFFFFFFF  }
0xc1: {  	_ =	task.clear_ibuf [dreg:s7], $0x2FFFF;
	_ =	strace $0x9FFFFFFF  }
0xc2: {  	(tm) =	ssettm $0x7FFFFFFF  }
0xc3: {  	_ =	shalt  }
tec
execute0_lowered:
.L_overlay_start_1:
0x0: {  	(tag) =	ssettag $0x1  }
0x1: {  	s0 =	rddreg [dreg:$0x0]  }
0x2: {  	s1 =	rddreg [dreg:$0x1]  }
0x3: {  	s3 =	simm.s32 $0x0;
	s2 =	srdreg.scid;
	s4 =	stileid.u32  }
0x4: {  	s13 =	simm.s32 $0x1A480;
	s14 =	simm.s32 $0x7;
	s15 =	simm.s32 $0x20  }
0x5: {  	s16 =	simm.s32 $0x4000;
	s17 =	simm.s32 $0x640;
	s18 =	simm.s32 $0x1  }
0x6: {  	s19 =	simm.s32 $0x19C80;
	s20 =	simm.s32 $0x2;
	s21 =	simm.s32 $0x1A080  }
0x7: {  	s22 =	simm.s32 $0x5;
	s23 =	simm.s32 $0x6;
	s24 =	simm.s32 $0x3  }
0x8: {  	s25 =	simm.s32 $0x0;
	[smem:$0x7FF] =	sst s3;
	s2 =	sand.u32 $0x1, s2  }
0x9: {  	s5 =	sshll.u32 s4, $0xA;
	s4 =	sadd.s32 $0x600, s0;
	_ =	strace $0x80000047  }
.Ltmp0:
0xa: {  	s6 =	sshll.u32 s2, $0x9;
	s2 =	ssub.s32 $0x2, s2;
	(pc) =	sbr.rel .LBB2_1-.Ltmp0, $4  }
0xb: {  	s5 =	sor.u32 s6, s5;
	s6 =	sadd.s32 $0xF42A00, s0;
	s30 =	sshrl.u32 s2, $0x1  }
0xc: {  	s7 =	sshrl.u32 s5, $0x3;
	s0 =	ssub.s32 s2, s30;
	s31 =	sshll.u32 s5, $0x2  }
0xd: {  	s10 =	sor.u32 $0x40, s5;
	s11 =	sor.u32 $0x60, s5;
	s7 =	sadd.s32 s4, s7  }
0xe: {  	v0 =	vimm.f32 $0.0e+00;
	s9 =	sadd.s32 s1, s31;
	s12 =	smax.u32 s0, $0x1;
	s8 =	sadd.s32 $0x4, s7  }
.LBB2_28:
0xf: {  	s25 =	sadd.s32 $0x1, s25  }
0x10: {  	_ =	swait.ge [sflag:s22], $0x400;
	p0 =	sne.s32 s25, s12  }
.Ltmp1:
0x11: {  	[sflag:s22] =	ssyncset.done $0x0;
	(pc) =	sbr.rel @!p0 .LBB2_29-.Ltmp1, $4  }
0x12: {  	[sflag:s22] =	ssyncadd.s32 $0xFFFFFC00  }
0x13: {  	_ =	swait.ge [sflag:s23], $0x400  }
0x14: {  	[sflag:s23] =	ssyncset.done $0x0  }
0x15: {  	[sflag:s23] =	ssyncadd.s32 $0xFFFFFC00  }
.LBB2_1:
0x16: {  	[tilespmem:s13], [sflag:$0x7] =	stream.linear.gather [hbm4b:s6+s3], $0x20, $0x38;
	[tilespmem:$0x1A4A0] =	vst v63  }
0x17: {  	_ =	swait.ge [sflag:s14], $0x20  }
0x18: {  	[sflag:s14] =	ssyncset.done $0x0  }
0x19: {  	[sflag:s14] =	ssyncadd.s32 $0xFFFFFFE0  }
0x1a: {  	v1 =	vld [tilespmem:$0x1A480]  }
0x1b: {  	v2 =	vld [tilespmem:$0x1A490];
	[tilespmem:s3], [sflag:$0x7] =	stream.strided.gather [hbm4b:s7+s15], $0x640, s16, s15, $0x38  }
0x1c: {  	_ =	swait.ge [sflag:s14], $0x640  }
0x1d: {  	s0 =	simm.s32 $0xC80;
	s2 =	simm.s32 $0x80;
	[sflag:s14] =	ssyncset.done $0x0  }
0x1e: {  	s28 =	simm.s32 $0x0;
	s26 =	simm.s32 $0x1080;
	[sflag:s14] =	ssyncadd.s32 $0xFFFFF9C0  }
.LBB2_2:
0x1f: {  	[tilespmem:s0], [sflag:$0x1] =	stream.indirect.gather [hbm4b:s6+s15], $0x20, s28, s15, $0xb8;
	[tilespmem:$0x1A4A0] =	vst v63  }
0x20: {  	s28 =	smov.u32 s2;
	s0 =	smov.u32 s26;
	p0 =	sne.s32 s2, $0x1880  }
.Ltmp2:
0x21: {  	s2 =	sadd.s32 $0x80, s2;
	(pc) =	sbr.rel @p0 .LBB2_2-.Ltmp2, $2  }
0x22: {  	_ =	sdelay $0x2  }
0x23: {  	s26 =	sadd.s32 $0x400, s26;
	s28 =	sshra.s32 s28, $0x2  }
0x24: {  	[tilespmem:s0], [sflag:$0x1] =	stream.indirect.gather [hbm4b:s6+s15], $0x20, s28, s15, $0xb8;
	[tilespmem:$0x1A4A0] =	vst v63  }
0x25: {  	_ = 	snop  }
0x26: {  	[tilespmem:s17], [sflag:$0x7] =	stream.strided.gather [hbm4b:s8+s15], $0x640, s16, s15, $0x38;
	[tilespmem:$0x1A4A0] =	vst v63  }
0x27: {  	_ =	swait.ge [sflag:s14], $0x640  }
0x28: {  	[sflag:s14] =	ssyncset.done $0x0  }
0x29: {  	s26 =	simm.s32 $0x0;
	[sflag:s14] =	ssyncadd.s32 $0xFFFFF9C0  }
.LBB2_4:
0x2a: {  	p0 =	seq.s32 s26, $0x0  }
0x2b: {  	s0 =	simm.s32 @!p0 $0x4  }
0x2c: {  	_ =	swait.ge @!p0 [sflag:s0], $0x640  }
0x2d: {  	s28 =	sshll.u32 s26, $0x6;
	[sflag:s0] =	ssyncset.done @!p0 $0x0  }
0x2e: {  	s2 =	simm.s32 $0x0;
	[sflag:s0] =	ssyncadd.s32 @!p0 $0xFFFFF9C0;
	s0 =	simm.s32 $0xD480  }
.LBB2_5:
0x2f: {  	p1 =	sne.s32 s2, $0x1880  }
.Ltmp3:
0x30: {  	_ = 	snop;
	(pc) =	sbr.rel @p1 .LBB2_5-.Ltmp3, $4  }
0x31: {  	s29 =	sshra.s32 s2, $0x2  }
0x32: {  	s29 =	sadd.s32 $0x640, s29  }
0x33: {  	[tilespmem:s0], [sflag:$0x2] =	stream.indirect.gather [hbm4b:s6+s15], $0x20, s29, s15, $0xb8;
	[tilespmem:$0x1A4A0] =	vst v63  }
0x34: {  	s2 =	sadd.s32 $0x80, s2;
	s0 =	sadd.s32 $0x400, s0  }
0x35: {  	s0 =	simm.s32 $0xA0  }
0x36: {  	v4 =	vld [tilespmem:s0+$0xFFFFFF60];
	_ =	sdelay $0x1  }
0x37: {  	v5 =	vld [tilespmem:s0+$0xFFFFFF80];
	_ =	sdelay $0x1  }
0x38: {  	v6 =	vld [tilespmem:s0+$0xFFFFFFA0]  }
0x39: {  	v3 =	vimm.f32 $0.0e+00;
	vm0 =	veq.s32 v4, $0x0  }
0x3a: {  	v7 =	vld [tilespmem:s0+$0xFFFFFFC0];
	v4 =	vsel vm0, $0x3F800000, v3  }
0x3b: {  	vm0 =	veq.s32 v5, $0x0;
	v4 =	vadd.f32 v4, v3  }
0x3c: {  	v8 =	vld [tilespmem:s0+$0xFFFFFFE0];
	v5 =	vsel vm0, $0x3F800000, v3  }
0x3d: {  	vm0 =	veq.s32 v6, $0x0;
	v4 =	vadd.f32 v5, v4  }
0x3e: {  	v6 =	vld [tilespmem:s0+$0x0];
	v5 =	vsel vm0, $0x3F800000, v3  }
0x3f: {  	vm0 =	veq.s32 v7, $0x0;
	v4 =	vadd.f32 v5, v4  }
0x40: {  	v5 =	vsel vm0, $0x3F800000, v3  }
0x41: {  	v7 =	vld [tilespmem:s0+$0x20];
	vm0 =	veq.s32 v8, $0x0;
	v4 =	vadd.f32 v5, v4  }
0x42: {  	v5 =	vsel vm0, $0x3F800000, v3  }
0x43: {  	v8 =	vld [tilespmem:s0+$0x40];
	vm0 =	veq.s32 v6, $0x0;
	v4 =	vadd.f32 v5, v4  }
0x44: {  	v5 =	vsel vm0, $0x3F800000, v3  }
0x45: {  	v6 =	vadd.f32 v5, v4;
	v5 =	vld [tilespmem:s0+$0x60]  }
0x46: {  	vm0 =	veq.s32 v7, $0x0  }
0x47: {  	v7 =	vsel vm0, $0x3F800000, v3;
	v4 =	vld [tilespmem:s0+$0x80]  }
0x48: {  	s30 =	simm.s32 $0x0;
	vm0 =	veq.s32 v8, $0x0;
	s0 =	simm.s32 $0x1E0;
	v6 =	vadd.f32 v7, v6  }
.LBB2_7:
0x49: {  	v7 =	vld [tilespmem:s0+$0xFFFFFF60];
	s30 =	sadd.s32 $0xA, s30;
	v8 =	vsel vm0, $0x3F800000, v3  }
0x4a: {  	p1 =	slt.u32 s30, $0x28;
	v6 =	vadd.f32 v8, v6;
	vm0 =	veq.s32 v5, $0x0  }
0x4b: {  	v5 =	vld [tilespmem:s0+$0xFFFFFF80];
	v8 =	vsel vm0, $0x3F800000, v3  }
0x4c: {  	v6 =	vadd.f32 v8, v6;
	vm0 =	veq.s32 v4, $0x0  }
0x4d: {  	v4 =	vld [tilespmem:s0+$0xFFFFFFA0];
	v8 =	vsel vm0, $0x3F800000, v3  }
0x4e: {  	s29 =	simm.s32 $0xB0;
	vm0 =	veq.s32 v7, $0x0;
	v6 =	vadd.f32 v8, v6  }
0x4f: {  	v7 =	vsel vm0, $0x3F800000, v3;
	v8 =	vld [tilespmem:s0+$0xFFFFFFC0]  }
0x50: {  	v6 =	vadd.f32 v7, v6;
	vm0 =	veq.s32 v5, $0x0  }
0x51: {  	v5 =	vsel vm0, $0x3F800000, v3;
	v7 =	vld [tilespmem:s0+$0xFFFFFFE0]  }
0x52: {  	v5 =	vadd.f32 v5, v6;
	vm0 =	veq.s32 v4, $0x0  }
0x53: {  	v4 =	vsel vm0, $0x3F800000, v3;
	v6 =	vld [tilespmem:s0+$0x0]  }
0x54: {  	v4 =	vadd.f32 v4, v5;
	vm0 =	veq.s32 v8, $0x0  }
0x55: {  	v5 =	vsel vm0, $0x3F800000, v3;
	v8 =	vld [tilespmem:s0+$0x20]  }
0x56: {  	v4 =	vadd.f32 v5, v4;
	vm0 =	veq.s32 v7, $0x0  }
0x57: {  	v5 =	vsel vm0, $0x3F800000, v3;
	v7 =	vld [tilespmem:s0+$0x40]  }
.Ltmp4:
0x58: {  	v4 =	vadd.f32 v5, v4;
	vm0 =	veq.s32 v6, $0x0;
	(pc) =	sbr.rel @p1 .LBB2_7-.Ltmp4, $4  }
0x59: {  	v6 =	vsel vm0, $0x3F800000, v3;
	v5 =	vld [tilespmem:s0+$0x60]  }
0x5a: {  	v6 =	vadd.f32 v6, v4;
	vm0 =	veq.s32 v8, $0x0  }
0x5b: {  	v8 =	vsel vm0, $0x3F800000, v3;
	v4 =	vld [tilespmem:s0+$0x80]  }
0x5c: {  	s0 =	sadd.s32 $0x140, s0;
	v6 =	vadd.f32 v8, v6;
	vm0 =	veq.s32 v7, $0x0  }
0x5d: {  	v7 =	vld [tilespmem:s29+$0xFFFFFF60];
	_ =	sdelay $0x1  }
0x5e: {  	v8 =	vld [tilespmem:s29+$0xFFFFFF80];
	_ =	sdelay $0x1  }
0x5f: {  	v9 =	vld [tilespmem:s29+$0xFFFFFFA0]  }
0x60: {  	vm1 =	veq.s32 v7, $0x0  }
0x61: {  	v10 =	vld [tilespmem:s29+$0xFFFFFFC0];
	v7 =	vsel vm1, $0x3F800000, v0  }
0x62: {  	vm1 =	veq.s32 v8, $0x0;
	v7 =	vadd.f32 v7, v3  }
0x63: {  	v11 =	vld [tilespmem:s29+$0xFFFFFFE0];
	v8 =	vsel vm1, $0x3F800000, v0  }
0x64: {  	vm1 =	veq.s32 v9, $0x0;
	v7 =	vadd.f32 v8, v7  }
0x65: {  	v61 =	vld [tilespmem:s29+$0x0];
	v8 =	vsel vm1, $0x3F800000, v0  }
0x66: {  	vm1 =	veq.s32 v10, $0x0;
	v7 =	vadd.f32 v8, v7  }
0x67: {  	v62 =	vld [tilespmem:s29+$0x20];
	v8 =	vsel vm1, $0x3F800000, v0  }
0x68: {  	vm1 =	veq.s32 v11, $0x0;
	v7 =	vadd.f32 v8, v7;
	v8 =	vsel vm0, $0x3F800000, v3  }
0x69: {  	vm0 =	veq.s32 v5, $0x0;
	v5 =	vsel vm1, $0x3F800000, v0;
	v6 =	vadd.f32 v8, v6;
	v8 =	vld [tilespmem:s29+$0x40]  }
0x6a: {  	vm1 =	veq.s32 v61, $0x0;
	v5 =	vadd.f32 v5, v7;
	v7 =	vsel vm0, $0x3F800000, v3  }
0x6b: {  	vm0 =	veq.s32 v4, $0x0;
	v4 =	vld [tilespmem:s29+$0x60];
	v6 =	vadd.f32 v7, v6;
	v7 =	vsel vm1, $0x3F800000, v0  }
0x6c: {  	vm1 =	veq.s32 v62, $0x0;
	v7 =	vadd.f32 v7, v5  }
0x6d: {  	v3 =	vsel vm0, $0x3F800000, v3;
	v63 =	vsel vm1, $0x3F800000, v0;
	v5 =	vld [tilespmem:s29+$0x80]  }
0x6e: {  	s30 =	simm.s32 $0x0;
	s0 =	simm.s32 $0x1F0;
	v3 =	vadd.f32 v3, v6;
	v6 =	vadd.f32 v63, v7;
	vm0 =	veq.s32 v8, $0x0  }
.LBB2_9:
0x6f: {  	v7 =	vld [tilespmem:s0+$0xFFFFFF60];
	s30 =	sadd.s32 $0xA, s30;
	v8 =	vsel vm0, $0x3F800000, v0  }
0x70: {  	p1 =	slt.u32 s30, $0x28;
	v6 =	vadd.f32 v8, v6;
	vm0 =	veq.s32 v4, $0x0  }
0x71: {  	v4 =	vld [tilespmem:s0+$0xFFFFFF80];
	v8 =	vsel vm0, $0x3F800000, v0  }
0x72: {  	v6 =	vadd.f32 v8, v6;
	vm0 =	veq.s32 v5, $0x0  }
0x73: {  	v5 =	vld [tilespmem:s0+$0xFFFFFFA0];
	v8 =	vsel vm0, $0x3F800000, v0  }
0x74: {  	vm0 =	veq.s32 v7, $0x0;
	v6 =	vadd.f32 v8, v6  }
0x75: {  	v7 =	vsel vm0, $0x3F800000, v0;
	v8 =	vld [tilespmem:s0+$0xFFFFFFC0]  }
0x76: {  	v6 =	vadd.f32 v7, v6;
	vm0 =	veq.s32 v4, $0x0  }
0x77: {  	v4 =	vsel vm0, $0x3F800000, v0;
	v7 =	vld [tilespmem:s0+$0xFFFFFFE0]  }
0x78: {  	v4 =	vadd.f32 v4, v6;
	vm0 =	veq.s32 v5, $0x0  }
0x79: {  	v5 =	vsel vm0, $0x3F800000, v0;
	v6 =	vld [tilespmem:s0+$0x0]  }
0x7a: {  	v4 =	vadd.f32 v5, v4;
	vm0 =	veq.s32 v8, $0x0  }
0x7b: {  	v5 =	vsel vm0, $0x3F800000, v0;
	v8 =	vld [tilespmem:s0+$0x20]  }
0x7c: {  	v4 =	vadd.f32 v5, v4;
	vm0 =	veq.s32 v7, $0x0  }
0x7d: {  	v5 =	vsel vm0, $0x3F800000, v0;
	v7 =	vld [tilespmem:s0+$0x40]  }
.Ltmp5:
0x7e: {  	v5 =	vadd.f32 v5, v4;
	vm0 =	veq.s32 v6, $0x0;
	(pc) =	sbr.rel @p1 .LBB2_9-.Ltmp5, $4  }
0x7f: {  	v6 =	vsel vm0, $0x3F800000, v0;
	v4 =	vld [tilespmem:s0+$0x60]  }
0x80: {  	v6 =	vadd.f32 v6, v5;
	vm0 =	veq.s32 v8, $0x0  }
0x81: {  	v8 =	vsel vm0, $0x3F800000, v0;
	v5 =	vld [tilespmem:s0+$0x80]  }
0x82: {  	s0 =	sadd.s32 $0x140, s0;
	v6 =	vadd.f32 v8, v6;
	vm0 =	veq.s32 v7, $0x0  }
0x83: {  	v7 =	vsel vm0, $0x3F800000, v0  }
0x84: {  	v6 =	vadd.f32 v7, v6;
	vm13 =	veq.s32 v4, $0x0  }
0x85: {  	v4 =	vsel vm13, $0x3F800000, v0  }
0x86: {  	v4 =	vadd.f32 v4, v6;
	vm14 =	veq.s32 v5, $0x0  }
0x87: {  	v5 =	vsel vm14, $0x3F800000, v0  }
0x88: {  	v4 =	vadd.f32 v5, v4  }
0x89: {  	v5 =	vsub.f32 $5.000000000e+01, v3  }
0x8a: {  	v6 =	vsub.f32 $5.000000000e+01, v4  }
0x8b: {  	vm15 =	veq.f32 v5, $0.0e+00  }
0x8c: {  	v5 =	vsel vm15, $0x3F800000, v5;
	vm1 =	veq.f32 v6, $0.0e+00  }
0x8d: {  	(erf) = vrcp.f32 v5;
	v5 =	vsel vm1, $0x3F800000, v6  }
0x8e: {  	(erf) = vrcp.f32 v5;
	_ =	sdelay $0x7  }
0x8f: {  	v5 =	vpop (erf)  }
0x90: {  	v6 =	vpop (erf)  }
0x91: {  	_ =	swait.ge [sflag:s18], $0xC800  }
0x92: {  	[sflag:s18] =	ssyncset.done $0x0  }
0x93: {  	s0 =	simm.s32 @!p0 $0x5;
	[sflag:s18] =	ssyncadd.s32 $0xFFFF3800  }
0x94: {  	_ =	swait.ge @!p0 [sflag:s0], $0x400  }
0x95: {  	[sflag:s0] =	ssyncset.done @!p0 $0x0  }
0x96: {  	s29 =	simm.s32 $0x0;
	s30 =	simm.s32 $0x2080;
	v5 =	vsel vm15, $0x0, v5;
	v6 =	vsel vm1, $0x0, v6;
	[sflag:s0] =	ssyncadd.s32 @!p0 $0xFFFFFC00  }
.LBB2_11:
0x97: {  	v7 =	vld [tilespmem:s30+$0xFFFFEC00]  }
0x98: {  	v8 =	vld [tilespmem:s30+$0xFFFFEC10]  }
0x99: {  	v9 =	vld [tilespmem:s30+$0xFFFFF000]  }
0x9a: {  	v10 =	vld [tilespmem:s30+$0xFFFFF010]  }
0x9b: {  	v11 =	vld [tilespmem:s30+$0xFFFFF400]  }
0x9c: {  	v12 =	vld [tilespmem:s30+$0xFFFFF410];
	v13 =	vimm.f32 $0.0e+00  }
0x9d: {  	v14 =	vld [tilespmem:s30+$0xFFFFF800];
	v7 =	vadd.f32 v7, v13;
	v8 =	vadd.f32 v8, v13  }
0x9e: {  	v13 =	vld [tilespmem:s30+$0xFFFFF810]  }
0x9f: {  	v15 =	vld [tilespmem:s30+$0xFFFFFC00];
	v7 =	vadd.f32 v9, v7;
	v8 =	vadd.f32 v10, v8  }
0xa0: {  	v9 =	vld [tilespmem:s30+$0xFFFFFC10]  }
0xa1: {  	v16 =	vld [tilespmem:s30+$0x0];
	v7 =	vadd.f32 v11, v7;
	v8 =	vadd.f32 v12, v8  }
0xa2: {  	v12 =	vld [tilespmem:s30+$0x10]  }
0xa3: {  	v17 =	vld [tilespmem:s30+$0x400];
	v7 =	vadd.f32 v14, v7;
	v8 =	vadd.f32 v13, v8  }
0xa4: {  	v14 =	vld [tilespmem:s30+$0x410]  }
0xa5: {  	v10 =	vld [tilespmem:s30+$0x800];
	v13 =	vadd.f32 v15, v7;
	v8 =	vadd.f32 v9, v8  }
0xa6: {  	v11 =	vld [tilespmem:s30+$0x810]  }
0xa7: {  	v7 =	vld [tilespmem:s30+$0xC00];
	v13 =	vadd.f32 v16, v13;
	v12 =	vadd.f32 v12, v8  }
0xa8: {  	v9 =	vld [tilespmem:s30+$0xC10]  }
0xa9: {  	v8 =	vld [tilespmem:s30+$0x1000];
	v13 =	vadd.f32 v17, v13;
	v14 =	vadd.f32 v14, v12  }
0xaa: {  	s31 =	sshll.u32 s29, $0x7;
	s0 =	simm.s32 $0x0;
	s2 =	sadd.s32 $0x2800, s30;
	v12 =	vld [tilespmem:s30+$0x1010]  }
.LBB2_12:
0xab: {  	v15 =	vld [tilespmem:s2+$0xFFFFEC00];
	v10 =	vadd.f32 v10, v13;
	v11 =	vadd.f32 v11, v14  }
0xac: {  	s0 =	sadd.s32 $0xA, s0;
	v13 =	vld [tilespmem:s2+$0xFFFFEC10]  }
0xad: {  	p1 =	slt.u32 s0, $0x28;
	v14 =	vld [tilespmem:s2+$0xFFFFF000];
	v7 =	vadd.f32 v7, v10;
	v9 =	vadd.f32 v9, v11  }
0xae: {  	v10 =	vld [tilespmem:s2+$0xFFFFF010]  }
0xaf: {  	v11 =	vld [tilespmem:s2+$0xFFFFF400];
	v7 =	vadd.f32 v8, v7;
	v8 =	vadd.f32 v12, v9  }
0xb0: {  	v9 =	vld [tilespmem:s2+$0xFFFFF410]  }
0xb1: {  	v7 =	vadd.f32 v15, v7;
	v8 =	vadd.f32 v13, v8;
	v12 =	vld [tilespmem:s2+$0xFFFFF800]  }
0xb2: {  	v13 =	vld [tilespmem:s2+$0xFFFFF810]  }
0xb3: {  	v7 =	vadd.f32 v14, v7;
	v8 =	vadd.f32 v10, v8;
	v10 =	vld [tilespmem:s2+$0xFFFFFC00]  }
0xb4: {  	v14 =	vld [tilespmem:s2+$0xFFFFFC10]  }
0xb5: {  	v7 =	vadd.f32 v11, v7;
	v8 =	vadd.f32 v9, v8;
	v9 =	vld [tilespmem:s2+$0x0]  }
0xb6: {  	v15 =	vld [tilespmem:s2+$0x10]  }
0xb7: {  	v7 =	vadd.f32 v12, v7;
	v8 =	vadd.f32 v13, v8;
	v12 =	vld [tilespmem:s2+$0x400]  }
0xb8: {  	v16 =	vld [tilespmem:s2+$0x410]  }
0xb9: {  	v7 =	vadd.f32 v10, v7;
	v8 =	vadd.f32 v14, v8;
	v10 =	vld [tilespmem:s2+$0x800]  }
.Ltmp6:
0xba: {  	v11 =	vld [tilespmem:s2+$0x810];
	(pc) =	sbr.rel @p1 .LBB2_12-.Ltmp6, $4  }
0xbb: {  	v13 =	vadd.f32 v9, v7;
	v8 =	vadd.f32 v15, v8;
	v7 =	vld [tilespmem:s2+$0xC00]  }
0xbc: {  	v9 =	vld [tilespmem:s2+$0xC10]  }
0xbd: {  	v13 =	vadd.f32 v12, v13;
	v14 =	vadd.f32 v16, v8;
	v8 =	vld [tilespmem:s2+$0x1000]  }
0xbe: {  	v12 =	vld [tilespmem:s2+$0x1010];
	s2 =	sadd.s32 $0x2800, s2  }
0xbf: {  	s0 =	sshrl.u32 s29, $0x4  }
0xc0: {  	v10 =	vadd.f32 v10, v13;
	s2 =	sand.u32 $0xF, s29;
	p1 =	seq.s32 s0, $0x0  }
0xc1: {  	v11 =	vadd.f32 v11, v14;
	v60 =	vmov s2;
	v61 =	vpsel p1, v3, v4  }
0xc2: {  	v7 =	vadd.f32 v7, v10;
	v62 =	vperm.xlane v61, v60  }
0xc3: {  	v9 =	vadd.f32 v9, v11  }
0xc4: {  	v7 =	vadd.f32 v8, v7;
	v8 =	vmul.f32 v62, v1  }
0xc5: {  	s29 =	sadd.s32 $0x1, s29;
	v63 =	vpsel p1, v5, v6;
	v9 =	vadd.f32 v12, v9;
	v10 =	vmul.f32 v62, v2  }
0xc6: {  	p1 =	sne.s32 s29, $0x20;
	v11 =	vperm.xlane v63, v60;
	v7 =	vsub.f32 v7, v8  }
.Ltmp7:
0xc7: {  	v8 =	vsub.f32 v9, v10;
	(pc) =	sbr.rel @p1 .LBB2_11-.Ltmp7, $4  }
0xc8: {  	v7 =	vmul.f32 v7, v11  }
0xc9: {  	s31 =	sshra.s32 s31, $0x2;
	v8 =	vmul.f32 v8, v11  }
0xca: {  	[tilespmem:s31+$0x19C80] =	vst v7  }
0xcb: {  	s30 =	sadd.s32 $0x20, s30;
	[tilespmem:s31+$0x19C90] =	vst v8  }
0xcc: {  	p1 =	seq.s32 s26, $0x7  }
.Ltmp8:
0xcd: {  	_ = 	snop;
	(pc) =	sbr.rel @p1 .LBB2_18-.Ltmp8, $4  }
0xce: {  	_ = 	snop  }
0xcf: {  	s0 =	sshll.u32 s26, $0x8  }
0xd0: {  	s0 =	sadd.s32 s0, s9  }
0xd1: {  	[hbm4b:s0+s3] =	stream.linear.scatter [tilespmem:s19], [sflag:$0x5], $0x400, $0x38;
	[tilespmem:$0x1A4A0] =	vst v63  }
0xd2: {  	s0 =	sadd.s32 s28, s10  }
0xd3: {  	s0 =	sshrl.u32 s0, $0x3  }
0xd4: {  	s2 =	simm.s32 $0x0;
	s0 =	sadd.s32 s4, s0  }
0xd5: {  	[tilespmem:s2], [sflag:$0x3] =	stream.strided.gather [hbm4b:s0+s15], $0x640, s16, s15, $0x38;
	[tilespmem:$0x1A4A0] =	vst v63  }
0xd6: {  	_ =	swait.ge [sflag:s24], $0x640  }
0xd7: {  	s30 =	simm.s32 $0x0;
	s29 =	simm.s32 $0x1080;
	[sflag:s24] =	ssyncset.done $0x0  }
0xd8: {  	s0 =	simm.s32 $0xC80;
	s2 =	simm.s32 $0x80;
	[sflag:s24] =	ssyncadd.s32 $0xFFFFF9C0  }
.LBB2_16:
0xd9: {  	[tilespmem:s0], [sflag:$0x1] =	stream.indirect.gather [hbm4b:s6+s15], $0x20, s30, s15, $0xb8;
	[tilespmem:$0x1A4A0] =	vst v63  }
0xda: {  	s30 =	smov.u32 s2;
	s0 =	smov.u32 s29;
	p2 =	sne.s32 s2, $0x1880  }
.Ltmp9:
0xdb: {  	s2 =	sadd.s32 $0x80, s2;
	(pc) =	sbr.rel @p2 .LBB2_16-.Ltmp9, $2  }
0xdc: {  	_ =	sdelay $0x2  }
0xdd: {  	s29 =	sadd.s32 $0x400, s29;
	s30 =	sshra.s32 s30, $0x2  }
0xde: {  	[tilespmem:s0], [sflag:$0x1] =	stream.indirect.gather [hbm4b:s6+s15], $0x20, s30, s15, $0xb8;
	[tilespmem:$0x1A4A0] =	vst v63  }
.LBB2_18:
0xdf: {  	s0 =	simm.s32 $0x6E0  }
0xe0: {  	v4 =	vld [tilespmem:s0+$0xFFFFFF60];
	_ =	sdelay $0x1  }
0xe1: {  	v5 =	vld [tilespmem:s0+$0xFFFFFF80];
	_ =	sdelay $0x1  }
0xe2: {  	v6 =	vld [tilespmem:s0+$0xFFFFFFA0]  }
0xe3: {  	v3 =	vimm.f32 $0.0e+00;
	vm0 =	veq.s32 v4, $0x0  }
0xe4: {  	v7 =	vld [tilespmem:s0+$0xFFFFFFC0];
	v4 =	vsel vm0, $0x3F800000, v3  }
0xe5: {  	vm0 =	veq.s32 v5, $0x0;
	v4 =	vadd.f32 v4, v3  }
0xe6: {  	v8 =	vld [tilespmem:s0+$0xFFFFFFE0];
	v5 =	vsel vm0, $0x3F800000, v3  }
0xe7: {  	vm0 =	veq.s32 v6, $0x0;
	v4 =	vadd.f32 v5, v4  }
0xe8: {  	v6 =	vld [tilespmem:s0+$0x0];
	v5 =	vsel vm0, $0x3F800000, v3  }
0xe9: {  	vm0 =	veq.s32 v7, $0x0;
	v4 =	vadd.f32 v5, v4  }
0xea: {  	v5 =	vsel vm0, $0x3F800000, v3  }
0xeb: {  	v7 =	vld [tilespmem:s0+$0x20];
	vm0 =	veq.s32 v8, $0x0;
	v4 =	vadd.f32 v5, v4  }
0xec: {  	v5 =	vsel vm0, $0x3F800000, v3  }
0xed: {  	v8 =	vld [tilespmem:s0+$0x40];
	vm0 =	veq.s32 v6, $0x0;
	v4 =	vadd.f32 v5, v4  }
0xee: {  	v5 =	vsel vm0, $0x3F800000, v3  }
0xef: {  	v6 =	vadd.f32 v5, v4;
	v5 =	vld [tilespmem:s0+$0x60]  }
0xf0: {  	vm0 =	veq.s32 v7, $0x0  }
0xf1: {  	v7 =	vsel vm0, $0x3F800000, v3;
	v4 =	vld [tilespmem:s0+$0x80]  }
0xf2: {  	s30 =	simm.s32 $0x0;
	vm0 =	veq.s32 v8, $0x0;
	s0 =	simm.s32 $0x820;
	v6 =	vadd.f32 v7, v6  }
.LBB2_19:
0xf3: {  	v7 =	vld [tilespmem:s0+$0xFFFFFF60];
	s30 =	sadd.s32 $0xA, s30;
	v8 =	vsel vm0, $0x3F800000, v3  }
0xf4: {  	p2 =	slt.u32 s30, $0x28;
	v6 =	vadd.f32 v8, v6;
	vm0 =	veq.s32 v5, $0x0  }
0xf5: {  	v5 =	vld [tilespmem:s0+$0xFFFFFF80];
	v8 =	vsel vm0, $0x3F800000, v3  }
0xf6: {  	v6 =	vadd.f32 v8, v6;
	vm0 =	veq.s32 v4, $0x0  }
0xf7: {  	v4 =	vld [tilespmem:s0+$0xFFFFFFA0];
	v8 =	vsel vm0, $0x3F800000, v3  }
0xf8: {  	s29 =	simm.s32 $0x6F0;
	vm0 =	veq.s32 v7, $0x0;
	v6 =	vadd.f32 v8, v6  }
0xf9: {  	v7 =	vsel vm0, $0x3F800000, v3;
	v8 =	vld [tilespmem:s0+$0xFFFFFFC0]  }
0xfa: {  	v6 =	vadd.f32 v7, v6;
	vm0 =	veq.s32 v5, $0x0  }
0xfb: {  	v5 =	vsel vm0, $0x3F800000, v3;
	v7 =	vld [tilespmem:s0+$0xFFFFFFE0]  }
0xfc: {  	v5 =	vadd.f32 v5, v6;
	vm0 =	veq.s32 v4, $0x0  }
0xfd: {  	v4 =	vsel vm0, $0x3F800000, v3;
	v6 =	vld [tilespmem:s0+$0x0]  }
0xfe: {  	v4 =	vadd.f32 v4, v5;
	vm0 =	veq.s32 v8, $0x0  }
0xff: {  	v5 =	vsel vm0, $0x3F800000, v3;
	v8 =	vld [tilespmem:s0+$0x20]  }
0x100: {  	v4 =	vadd.f32 v5, v4;
	vm0 =	veq.s32 v7, $0x0  }
0x101: {  	v5 =	vsel vm0, $0x3F800000, v3;
	v7 =	vld [tilespmem:s0+$0x40]  }
.Ltmp10:
0x102: {  	v4 =	vadd.f32 v5, v4;
	vm0 =	veq.s32 v6, $0x0;
	(pc) =	sbr.rel @p2 .LBB2_19-.Ltmp10, $4  }
0x103: {  	v6 =	vsel vm0, $0x3F800000, v3;
	v5 =	vld [tilespmem:s0+$0x60]  }
0x104: {  	v6 =	vadd.f32 v6, v4;
	vm0 =	veq.s32 v8, $0x0  }
0x105: {  	v8 =	vsel vm0, $0x3F800000, v3;
	v4 =	vld [tilespmem:s0+$0x80]  }
0x106: {  	s0 =	sadd.s32 $0x140, s0;
	v6 =	vadd.f32 v8, v6;
	vm0 =	veq.s32 v7, $0x0  }
0x107: {  	v7 =	vld [tilespmem:s29+$0xFFFFFF60];
	_ =	sdelay $0x1  }
0x108: {  	v8 =	vld [tilespmem:s29+$0xFFFFFF80];
	_ =	sdelay $0x1  }
0x109: {  	v9 =	vld [tilespmem:s29+$0xFFFFFFA0]  }
0x10a: {  	vm1 =	veq.s32 v7, $0x0  }
0x10b: {  	v10 =	vld [tilespmem:s29+$0xFFFFFFC0];
	v7 =	vsel vm1, $0x3F800000, v0  }
0x10c: {  	vm1 =	veq.s32 v8, $0x0;
	v7 =	vadd.f32 v7, v3  }
0x10d: {  	v11 =	vld [tilespmem:s29+$0xFFFFFFE0];
	v8 =	vsel vm1, $0x3F800000, v0  }
0x10e: {  	vm1 =	veq.s32 v9, $0x0;
	v7 =	vadd.f32 v8, v7  }
0x10f: {  	v61 =	vld [tilespmem:s29+$0x0];
	v8 =	vsel vm1, $0x3F800000, v0  }
0x110: {  	vm1 =	veq.s32 v10, $0x0;
	v7 =	vadd.f32 v8, v7  }
0x111: {  	v62 =	vld [tilespmem:s29+$0x20];
	v8 =	vsel vm1, $0x3F800000, v0  }
0x112: {  	vm1 =	veq.s32 v11, $0x0;
	v7 =	vadd.f32 v8, v7;
	v8 =	vsel vm0, $0x3F800000, v3  }
0x113: {  	vm0 =	veq.s32 v5, $0x0;
	v5 =	vsel vm1, $0x3F800000, v0;
	v6 =	vadd.f32 v8, v6;
	v8 =	vld [tilespmem:s29+$0x40]  }
0x114: {  	vm1 =	veq.s32 v61, $0x0;
	v5 =	vadd.f32 v5, v7;
	v7 =	vsel vm0, $0x3F800000, v3  }
0x115: {  	vm0 =	veq.s32 v4, $0x0;
	v4 =	vld [tilespmem:s29+$0x60];
	v6 =	vadd.f32 v7, v6;
	v7 =	vsel vm1, $0x3F800000, v0  }
0x116: {  	vm1 =	veq.s32 v62, $0x0;
	v7 =	vadd.f32 v7, v5  }
0x117: {  	v3 =	vsel vm0, $0x3F800000, v3;
	v63 =	vsel vm1, $0x3F800000, v0;
	v5 =	vld [tilespmem:s29+$0x80]  }
0x118: {  	s30 =	simm.s32 $0x0;
	s0 =	simm.s32 $0x830;
	v3 =	vadd.f32 v3, v6;
	v6 =	vadd.f32 v63, v7;
	vm0 =	veq.s32 v8, $0x0  }
.LBB2_21:
0x119: {  	v7 =	vld [tilespmem:s0+$0xFFFFFF60];
	s30 =	sadd.s32 $0xA, s30;
	v8 =	vsel vm0, $0x3F800000, v0  }
0x11a: {  	p2 =	slt.u32 s30, $0x28;
	v6 =	vadd.f32 v8, v6;
	vm0 =	veq.s32 v4, $0x0  }
0x11b: {  	v4 =	vld [tilespmem:s0+$0xFFFFFF80];
	v8 =	vsel vm0, $0x3F800000, v0  }
0x11c: {  	v6 =	vadd.f32 v8, v6;
	vm0 =	veq.s32 v5, $0x0  }
0x11d: {  	v5 =	vld [tilespmem:s0+$0xFFFFFFA0];
	v8 =	vsel vm0, $0x3F800000, v0  }
0x11e: {  	vm0 =	veq.s32 v7, $0x0;
	v6 =	vadd.f32 v8, v6  }
0x11f: {  	v7 =	vsel vm0, $0x3F800000, v0;
	v8 =	vld [tilespmem:s0+$0xFFFFFFC0]  }
0x120: {  	v6 =	vadd.f32 v7, v6;
	vm0 =	veq.s32 v4, $0x0  }
0x121: {  	v4 =	vsel vm0, $0x3F800000, v0;
	v7 =	vld [tilespmem:s0+$0xFFFFFFE0]  }
0x122: {  	v4 =	vadd.f32 v4, v6;
	vm0 =	veq.s32 v5, $0x0  }
0x123: {  	v5 =	vsel vm0, $0x3F800000, v0;
	v6 =	vld [tilespmem:s0+$0x0]  }
0x124: {  	v4 =	vadd.f32 v5, v4;
	vm0 =	veq.s32 v8, $0x0  }
0x125: {  	v5 =	vsel vm0, $0x3F800000, v0;
	v8 =	vld [tilespmem:s0+$0x20]  }
0x126: {  	v4 =	vadd.f32 v5, v4;
	vm0 =	veq.s32 v7, $0x0  }
0x127: {  	v5 =	vsel vm0, $0x3F800000, v0;
	v7 =	vld [tilespmem:s0+$0x40]  }
.Ltmp11:
0x128: {  	v5 =	vadd.f32 v5, v4;
	vm0 =	veq.s32 v6, $0x0;
	(pc) =	sbr.rel @p2 .LBB2_21-.Ltmp11, $4  }
0x129: {  	v6 =	vsel vm0, $0x3F800000, v0;
	v4 =	vld [tilespmem:s0+$0x60]  }
0x12a: {  	v6 =	vadd.f32 v6, v5;
	vm0 =	veq.s32 v8, $0x0  }
0x12b: {  	v8 =	vsel vm0, $0x3F800000, v0;
	v5 =	vld [tilespmem:s0+$0x80]  }
0x12c: {  	s0 =	sadd.s32 $0x140, s0;
	v6 =	vadd.f32 v8, v6;
	vm0 =	veq.s32 v7, $0x0  }
0x12d: {  	v7 =	vsel vm0, $0x3F800000, v0  }
0x12e: {  	v6 =	vadd.f32 v7, v6;
	vm13 =	veq.s32 v4, $0x0  }
0x12f: {  	v4 =	vsel vm13, $0x3F800000, v0  }
0x130: {  	v4 =	vadd.f32 v4, v6;
	vm14 =	veq.s32 v5, $0x0  }
0x131: {  	v5 =	vsel vm14, $0x3F800000, v0  }
0x132: {  	v4 =	vadd.f32 v5, v4  }
0x133: {  	v5 =	vsub.f32 $5.000000000e+01, v3  }
0x134: {  	v6 =	vsub.f32 $5.000000000e+01, v4  }
0x135: {  	vm15 =	veq.f32 v5, $0.0e+00  }
0x136: {  	v5 =	vsel vm15, $0x3F800000, v5;
	vm1 =	veq.f32 v6, $0.0e+00  }
0x137: {  	(erf) = vrcp.f32 v5;
	v5 =	vsel vm1, $0x3F800000, v6  }
0x138: {  	(erf) = vrcp.f32 v5;
	_ =	sdelay $0x7  }
0x139: {  	v5 =	vpop (erf)  }
0x13a: {  	v6 =	vpop (erf)  }
0x13b: {  	_ =	swait.ge [sflag:s20], $0xC800  }
0x13c: {  	[sflag:s20] =	ssyncset.done $0x0  }
0x13d: {  	s0 =	simm.s32 @!p0 $0x6;
	[sflag:s20] =	ssyncadd.s32 $0xFFFF3800  }
0x13e: {  	_ =	swait.ge @!p0 [sflag:s0], $0x400  }
0x13f: {  	[sflag:s0] =	ssyncset.done @!p0 $0x0  }
0x140: {  	s29 =	simm.s32 $0x0;
	s30 =	simm.s32 $0xE880;
	v5 =	vsel vm15, $0x0, v5;
	v6 =	vsel vm1, $0x0, v6;
	[sflag:s0] =	ssyncadd.s32 @!p0 $0xFFFFFC00  }
.LBB2_23:
0x141: {  	v7 =	vld [tilespmem:s30+$0xFFFFEC00]  }
0x142: {  	v8 =	vld [tilespmem:s30+$0xFFFFEC10]  }
0x143: {  	v9 =	vld [tilespmem:s30+$0xFFFFF000]  }
0x144: {  	v10 =	vld [tilespmem:s30+$0xFFFFF010]  }
0x145: {  	v11 =	vld [tilespmem:s30+$0xFFFFF400]  }
0x146: {  	v12 =	vld [tilespmem:s30+$0xFFFFF410];
	v13 =	vimm.f32 $0.0e+00  }
0x147: {  	v14 =	vld [tilespmem:s30+$0xFFFFF800];
	v7 =	vadd.f32 v7, v13;
	v8 =	vadd.f32 v8, v13  }
0x148: {  	v13 =	vld [tilespmem:s30+$0xFFFFF810]  }
0x149: {  	v15 =	vld [tilespmem:s30+$0xFFFFFC00];
	v7 =	vadd.f32 v9, v7;
	v8 =	vadd.f32 v10, v8  }
0x14a: {  	v9 =	vld [tilespmem:s30+$0xFFFFFC10]  }
0x14b: {  	v16 =	vld [tilespmem:s30+$0x0];
	v7 =	vadd.f32 v11, v7;
	v8 =	vadd.f32 v12, v8  }
0x14c: {  	v12 =	vld [tilespmem:s30+$0x10]  }
0x14d: {  	v17 =	vld [tilespmem:s30+$0x400];
	v7 =	vadd.f32 v14, v7;
	v8 =	vadd.f32 v13, v8  }
0x14e: {  	v14 =	vld [tilespmem:s30+$0x410]  }
0x14f: {  	v10 =	vld [tilespmem:s30+$0x800];
	v13 =	vadd.f32 v15, v7;
	v8 =	vadd.f32 v9, v8  }
0x150: {  	v11 =	vld [tilespmem:s30+$0x810]  }
0x151: {  	v7 =	vld [tilespmem:s30+$0xC00];
	v13 =	vadd.f32 v16, v13;
	v12 =	vadd.f32 v12, v8  }
0x152: {  	v9 =	vld [tilespmem:s30+$0xC10]  }
0x153: {  	v8 =	vld [tilespmem:s30+$0x1000];
	v13 =	vadd.f32 v17, v13;
	v14 =	vadd.f32 v14, v12  }
0x154: {  	s31 =	sshll.u32 s29, $0x7;
	s0 =	simm.s32 $0x0;
	s2 =	sadd.s32 $0x2800, s30;
	v12 =	vld [tilespmem:s30+$0x1010]  }
.LBB2_24:
0x155: {  	v15 =	vld [tilespmem:s2+$0xFFFFEC00];
	v10 =	vadd.f32 v10, v13;
	v11 =	vadd.f32 v11, v14  }
0x156: {  	s0 =	sadd.s32 $0xA, s0;
	v13 =	vld [tilespmem:s2+$0xFFFFEC10]  }
0x157: {  	p0 =	slt.u32 s0, $0x28;
	v14 =	vld [tilespmem:s2+$0xFFFFF000];
	v7 =	vadd.f32 v7, v10;
	v9 =	vadd.f32 v9, v11  }
0x158: {  	v10 =	vld [tilespmem:s2+$0xFFFFF010]  }
0x159: {  	v11 =	vld [tilespmem:s2+$0xFFFFF400];
	v7 =	vadd.f32 v8, v7;
	v8 =	vadd.f32 v12, v9  }
0x15a: {  	v9 =	vld [tilespmem:s2+$0xFFFFF410]  }
0x15b: {  	v7 =	vadd.f32 v15, v7;
	v8 =	vadd.f32 v13, v8;
	v12 =	vld [tilespmem:s2+$0xFFFFF800]  }
0x15c: {  	v13 =	vld [tilespmem:s2+$0xFFFFF810]  }
0x15d: {  	v7 =	vadd.f32 v14, v7;
	v8 =	vadd.f32 v10, v8;
	v10 =	vld [tilespmem:s2+$0xFFFFFC00]  }
0x15e: {  	v14 =	vld [tilespmem:s2+$0xFFFFFC10]  }
0x15f: {  	v7 =	vadd.f32 v11, v7;
	v8 =	vadd.f32 v9, v8;
	v9 =	vld [tilespmem:s2+$0x0]  }
0x160: {  	v15 =	vld [tilespmem:s2+$0x10]  }
0x161: {  	v7 =	vadd.f32 v12, v7;
	v8 =	vadd.f32 v13, v8;
	v12 =	vld [tilespmem:s2+$0x400]  }
0x162: {  	v16 =	vld [tilespmem:s2+$0x410]  }
0x163: {  	v7 =	vadd.f32 v10, v7;
	v8 =	vadd.f32 v14, v8;
	v10 =	vld [tilespmem:s2+$0x800]  }
.Ltmp12:
0x164: {  	v11 =	vld [tilespmem:s2+$0x810];
	(pc) =	sbr.rel @p0 .LBB2_24-.Ltmp12, $4  }
0x165: {  	v13 =	vadd.f32 v9, v7;
	v8 =	vadd.f32 v15, v8;
	v7 =	vld [tilespmem:s2+$0xC00]  }
0x166: {  	v9 =	vld [tilespmem:s2+$0xC10]  }
0x167: {  	v13 =	vadd.f32 v12, v13;
	v14 =	vadd.f32 v16, v8;
	v8 =	vld [tilespmem:s2+$0x1000]  }
0x168: {  	v12 =	vld [tilespmem:s2+$0x1010];
	s2 =	sadd.s32 $0x2800, s2  }
0x169: {  	s0 =	sshrl.u32 s29, $0x4  }
0x16a: {  	v10 =	vadd.f32 v10, v13;
	s2 =	sand.u32 $0xF, s29;
	p0 =	seq.s32 s0, $0x0  }
0x16b: {  	v11 =	vadd.f32 v11, v14;
	v60 =	vmov s2;
	v61 =	vpsel p0, v3, v4  }
0x16c: {  	v7 =	vadd.f32 v7, v10;
	v62 =	vperm.xlane v61, v60  }
0x16d: {  	v9 =	vadd.f32 v9, v11  }
0x16e: {  	v7 =	vadd.f32 v8, v7;
	v8 =	vmul.f32 v62, v1  }
0x16f: {  	s29 =	sadd.s32 $0x1, s29;
	v63 =	vpsel p0, v5, v6;
	v9 =	vadd.f32 v12, v9;
	v10 =	vmul.f32 v62, v2  }
0x170: {  	p0 =	sne.s32 s29, $0x20;
	v11 =	vperm.xlane v63, v60;
	v7 =	vsub.f32 v7, v8  }
.Ltmp13:
0x171: {  	v8 =	vsub.f32 v9, v10;
	(pc) =	sbr.rel @p0 .LBB2_23-.Ltmp13, $4  }
0x172: {  	v7 =	vmul.f32 v7, v11  }
0x173: {  	s31 =	sshra.s32 s31, $0x2;
	v8 =	vmul.f32 v8, v11  }
0x174: {  	[tilespmem:s31+$0x1A080] =	vst v7  }
0x175: {  	s30 =	sadd.s32 $0x20, s30;
	[tilespmem:s31+$0x1A090] =	vst v8  }
.Ltmp14:
0x176: {  	s0 =	sadd.s32 s28, s5;
	(pc) =	sbr.rel @p1 .LBB2_28-.Ltmp14, $4  }
0x177: {  	s0 =	sshll.u32 s0, $0x2  }
0x178: {  	s0 =	sadd.s32 s1, s0  }
0x179: {  	s0 =	sadd.s32 $0x80, s0  }
0x17a: {  	[hbm4b:s0+s3] =	stream.linear.scatter [tilespmem:s21], [sflag:$0x6], $0x400, $0x38;
	[tilespmem:$0x1A4A0] =	vst v63  }
.Ltmp15:
0x17b: {  	(pc) =	sbr.rel .LBB2_4-.Ltmp15, $4  }
0x17c: {  	s0 =	sadd.s32 s28, s11  }
0x17d: {  	s0 =	sshrl.u32 s0, $0x3  }
0x17e: {  	s26 =	sadd.s32 $0x1, s26;
	s0 =	sadd.s32 s4, s0  }
0x17f: {  	[tilespmem:s17], [sflag:$0x4] =	stream.strided.gather [hbm4b:s0+s15], $0x640, s16, s15, $0x38;
	[tilespmem:$0x1A4A0] =	vst v63  }
.LBB2_29:
0x180: {  	_ =	sfence.sel $0x180000  }
0x181: {  	[bflag:$0x0] =	sbarrier.arrive $0xFFFF  }
0x182: {  	_ =	strace $0x90000047  }
0x183: {  	s0 =	stileid.u32;
	[bflag:$0x2] =	sbarrier.arrive $0xFFFF  }
0x184: {  	p0 =	sne.s32 s0, $0x0;
	s0 =	rddreg [dreg:$0x2]  }
0x185: {  	s0 =	sadd.s32 @!p0 $0x100000, s0  }
0x186: {  	[sflag:s0] =	ssyncadd.tile.s32 @!p0 $0x1;
	_ =	shalt  }
.Lfunc_end2:
_tile_overlayer_lowered:
.L_overlay_start_2:
0x187: {  	(tag) =	ssettag $0x2  }
0x188: {  	s0 =	rddreg [dreg:$0x0];
	s2 =	stileid.u32  }
0x189: {  	s1 =	rddreg [dreg:$0x1];
	p0 =	sne.s32 s2, $0x0  }
0x18a: {  	s3 =	rddreg [dreg:$0x2];
	[bflag:$0x3] =	sbarrier.arrive $0xFFFF;
	s2 =	simm.s32 @!p0 $0x1C07  }
0x18b: {  	[timem:s3], [sflag:s2] =	dma.local @!p0 [hbm:s0], s1  }
0x18c: {  	s0 =	simm.s32 @!p0 $0x7  }
0x18d: {  	_ =	swait.ge @!p0 [sflag:s0], s1  }
0x18e: {  	s1 =	ssub.s32 @!p0 $0x0, s1;
	[sflag:s0] =	ssyncset.done @!p0 $0x0  }
0x18f: {  	[sflag:s0] =	ssyncadd.s32 @!p0 s1  }
0x190: {  	[bflag:$0x3] =	sbarrier.arrive $0xFFFF  }
0x191: {  	_ =	shalt  }

</sc_bundles>
